<compile_context>
chip_gen: v7x
topology: tpu7x:2x2x1
jax: 0.10.2.dev20260603
libtpu: 0.0.44.dev20260713+nightly
codegen_flags: <defaults>
</compile_context>

<pallas_src>
import functools

import jax
import jax.numpy as jnp
from jax import lax
from jax.experimental import pallas as pl
from jax.experimental.pallas import tpu as pltpu
from jax.experimental.pallas import tpu_sc as plsc

_N = 10000
_E = 320000
_D = 128
_R = 8

_NC = 2
_NS = 16
_NW = _NC * _NS
_EPT = _E // _NW
_CHUNK = 80
_NCHUNK = _EPT // _CHUNK
_G = 25
_NG = _NCHUNK // _G
_NPAD = 10240
_RPT = _NPAD // _NS
_SP = 2
_QS = _CHUNK // _SP
_DRAIN = 64
_NDRAIN = _RPT // _DRAIN


def _mm_body(h_ref, w_ref, o_ref):
    o_ref[...] = jnp.dot(h_ref[...], w_ref[...],
                         preferred_element_type=jnp.float32)


def _tc_transform(h, wflat):
    bn = 400
    return pl.pallas_call(
        _mm_body,
        grid=(_N // bn,),
        in_specs=[pl.BlockSpec((bn, _D), lambda i: (i, 0)),
                  pl.BlockSpec((_D, _R * _D), lambda i: (0, 0))],
        out_specs=pl.BlockSpec((bn, _R * _D), lambda i: (i, 0)),
        out_shape=jax.ShapeDtypeStruct((_N, _R * _D), jnp.float32),
    )(h, wflat)


def _combine_body(p0_ref, p1_ref, b_ref, o_ref):
    o_ref[...] = p0_ref[0] + p1_ref[0] + b_ref[...]


def _combine(p, bias):
    bn = 400
    p3 = p.reshape(_NC, _NPAD, _D)
    return pl.pallas_call(
        _combine_body,
        grid=(_N // bn,),
        in_specs=[pl.BlockSpec((1, bn, _D), lambda i: (0, i, 0)),
                  pl.BlockSpec((1, bn, _D), lambda i: (1, i, 0)),
                  pl.BlockSpec((1, _D), lambda i: (0, 0))],
        out_specs=pl.BlockSpec((bn, _D), lambda i: (i, 0)),
        out_shape=jax.ShapeDtypeStruct((_N, _D), jnp.float32),
    )(p3, p3, bias.reshape(1, _D))


def _sc_gather_scatter(hx, zeros, src2d, et2d, dst2d):
    mesh = plsc.VectorSubcoreMesh(core_axis_name="c", subcore_axis_name="s")

    @functools.partial(
        pl.kernel,
        out_type=jax.ShapeDtypeStruct((_NC * _NPAD, _D), jnp.float32),
        mesh=mesh,
        scratch_types=[
            pltpu.VMEM((_G, _CHUNK), jnp.int32),
            pltpu.VMEM((_G, _CHUNK), jnp.int32),
            pltpu.VMEM((_G, _CHUNK), jnp.int32),
            pltpu.VMEM((_CHUNK, _D), jnp.float32),
            pltpu.VMEM((_CHUNK, _D), jnp.float32),
            pltpu.VMEM_SHARED((_NPAD, _D), jnp.float32),
            pltpu.SemaphoreType.DMA,
            pltpu.SemaphoreType.DMA,
        ],
    )
    def k(hx_hbm, z_hbm, src_hbm, et_hbm, dst_hbm, out_hbm,
          row_v, et_v, dst_v, buf0, buf1, acc, sem0, sem1):
        c = lax.axis_index("c")
        s = lax.axis_index("s")
        w = c * _NS + s

        pltpu.sync_copy(z_hbm.at[pl.ds(s * _RPT, _RPT)],
                        acc.at[pl.ds(s * _RPT, _RPT)])

        plsc.subcore_barrier()

        def group(g, carry):
            pltpu.sync_copy(src_hbm.at[w, g], row_v)
            pltpu.sync_copy(et_hbm.at[w, g], et_v)
            pltpu.sync_copy(dst_hbm.at[w, g], dst_v)

            def make_rows(i, carry2):
                for j in range(_CHUNK // 16):
                    sl = pl.ds(j * 16, 16)
                    row_v[i, sl] = row_v[i, sl] * _R + et_v[i, sl]
                return carry2
            lax.fori_loop(0, _G, make_rows, 0)

            def fire(cc, buf, sem):
                for q in range(_SP):
                    sl = pl.ds(q * _QS, _QS)
                    pltpu.async_copy(hx_hbm.at[row_v.at[cc, sl]], buf.at[sl], sem)

            def drain(cc, buf, sem):
                for q in range(_SP):
                    sl = pl.ds(q * _QS, _QS)
                    pltpu.make_async_copy(hx_hbm.at[row_v.at[cc, sl]], buf.at[sl], sem).wait()

            fire(0, buf0, sem0)

            def pair(i, carry2):
                c0 = 2 * i
                fire(c0 + 1, buf1, sem1)
                drain(c0, buf0, sem0)
                pltpu.sync_copy(buf0, acc.at[dst_v.at[c0]], add=True)
                fire(c0 + 2, buf0, sem0)
                drain(c0 + 1, buf1, sem1)
                pltpu.sync_copy(buf1, acc.at[dst_v.at[c0 + 1]], add=True)
                return carry2
            lax.fori_loop(0, (_G - 1) // 2, pair, 0)

            last = _G - 1
            drain(last, buf0, sem0)
            pltpu.sync_copy(buf0, acc.at[dst_v.at[last]], add=True)
            return carry
        lax.fori_loop(0, _NG, group, 0)

        plsc.subcore_barrier()

        pltpu.sync_copy(acc.at[pl.ds(s * _RPT, _RPT)],
                        out_hbm.at[pl.ds(c * _NPAD + s * _RPT, _RPT)])

    return k(hx, zeros, src2d, et2d, dst2d)


def kernel(h, edge_index, edge_norm, edge_types, weight, bias):
    del edge_norm
    src = edge_index[0].reshape(_NW, _NG, _G, _CHUNK)
    dst = edge_index[1].reshape(_NW, _NG, _G, _CHUNK)
    et = edge_types.reshape(_NW, _NG, _G, _CHUNK)
    wflat = jnp.transpose(weight, (1, 0, 2)).reshape(_D, _R * _D)
    hx = _tc_transform(h, wflat).reshape(_N * _R, _D)
    zeros = jnp.zeros((_NPAD, _D), jnp.float32)
    p = _sc_gather_scatter(hx, zeros, src, et, dst)
    return _combine(p, bias)

# --- scband reference (transcript-rebuilt; emitter-appended) ---
"""Pipeline reference for scband-rgcnlayer-38345468019172 (READ-ONLY COPY).

The authoritative reference and input builder live on the scoring server;
editing this copy changes nothing except your own understanding.
"""

import jax, jax.numpy as jnp
import numpy as np

N = 10000
E = 320000
D_IN = 128
D_OUT = 128
R = 8

def setup_inputs(seed: int = 0) -> dict:
    key = jax.random.key(seed)
    k1, k2, k3, k4, k5, k6 = jax.random.split(key, 6)
    h = jax.random.normal(k1, (N, D_IN), dtype=jnp.float32)
    edge_index = jax.random.randint(k2, (2, E), 0, N, dtype=jnp.int32)
    edge_norm = jax.random.uniform(k3, (E, 1), dtype=jnp.float32)
    edge_types = jax.random.randint(k4, (E,), 0, R, dtype=jnp.int32)
    stdv = 1.0 / np.sqrt(D_IN)
    weight = jax.random.uniform(k5, (R, D_IN, D_OUT), minval=-stdv, maxval=stdv, dtype=jnp.float32)
    bias = jax.random.uniform(k6, (D_OUT,), minval=-stdv, maxval=stdv, dtype=jnp.float32)
    return {"h": h, "edge_index": edge_index, "edge_norm": edge_norm, "edge_types": edge_types, "weight": weight, "bias": bias}

def reference(h, edge_index, edge_norm, edge_types, weight, bias):
    # dropout is None in __init__ -> self.dropout = 0.0 -> no-op
    # h.unsqueeze(0).expand(R,-1,-1); bmm(h, weight); permute(1,0,2)  ==  einsum
    hx = jnp.einsum('ni,rio->nro', h, weight)  # [N, R, D_OUT]
    src = edge_index[0]
    dst = edge_index[1]
    # nb_compute: for each dst node, sum over in-edges of src node's h at the edge's relation
    # (edge_norm is passed as e_feat but unused in the message lambda)
    msg = hx[src, edge_types]  # gather [E, D_OUT]
    out = jnp.zeros((h.shape[0], weight.shape[2]), dtype=h.dtype).at[dst].add(msg)
    out = out + bias  # bias=True
    # activation is None -> no-op
    return out

if __name__ == "__main__":
    import jax
    _d = setup_inputs()
    print(jax.jit(kernel)(*tuple(_d.values())))

</pallas_src>

<mosaic_0001>
#map = affine_map<(d0, d1) -> (0, 0)>
#map1 = affine_map<(d0, d1) -> (0, 0, 0, 0)>
module attributes {stable_mosaic.version = 14 : i64} {
  func.func @k(%arg0: i32, %arg1: i32, %arg2: memref<80000x128xf32, #tpu.memory_space<hbm>>, %arg3: memref<10240x128xf32, #tpu.memory_space<hbm>>, %arg4: memref<32x5x25x80xi32, #tpu.memory_space<hbm>>, %arg5: memref<32x5x25x80xi32, #tpu.memory_space<hbm>>, %arg6: memref<32x5x25x80xi32, #tpu.memory_space<hbm>>, %arg7: memref<20480x128xf32, #tpu.memory_space<hbm>>, %arg8: memref<25x80xi32, #tpu.memory_space<vmem>>, %arg9: memref<25x80xi32, #tpu.memory_space<vmem>>, %arg10: memref<25x80xi32, #tpu.memory_space<vmem>>, %arg11: memref<80x128xf32, #tpu.memory_space<vmem>>, %arg12: memref<80x128xf32, #tpu.memory_space<vmem>>, %arg13: memref<10240x128xf32, #tpu.memory_space<vmem_shared>>, %arg14: memref<!tpu.dma_semaphore, #tpu.memory_space<semaphore_mem>>, %arg15: memref<!tpu.dma_semaphore, #tpu.memory_space<semaphore_mem>>) attributes {dimension_semantics = [#tpu.dimension_semantics<core_parallel>, #tpu.dimension_semantics<subcore_parallel>], iteration_bounds = array<i64: 2, 16>, scalar_prefetch = 0 : i64, scratch_operands = 8 : i64, tpu.core_type = #tpu.core_type<sc_vector_subcore>, window_params = [{transform_indices = #map}, {transform_indices = #map}, {transform_indices = #map1}, {transform_indices = #map1}, {transform_indices = #map1}, {transform_indices = #map}]} {
    %mul3A = arith.constant 16 : i32
    %mul3A_0 = arith.muli %arg0, %mul3A : i32
    %add3A = arith.addi %mul3A_0, %arg1 : i32
    %mul3A_1 = arith.constant 640 : i32
    %mul3A_2 = arith.muli %arg1, %mul3A_1 : i32
    %mul3A_3 = arith.constant 640 : i32
    %mul3A_4 = arith.muli %arg1, %mul3A_3 : i32
    "tpu.region"() ({
      %run_scoped3A = tpu.sem_alloc : memref<!tpu.dma_semaphore, #tpu.memory_space<semaphore_mem>>
      %dma_start3A = arith.constant 0 : i32
      %dma_start3A_18 = tpu.memref_slice %arg13[%mul3A_4, %dma_start3A] : memref<10240x128xf32, #tpu.memory_space<vmem_shared>> -> memref<640x128xf32, #tpu.memory_space<vmem_shared>>
      %dma_start3A_19 = arith.constant 0 : i32
      %dma_start3A_20 = tpu.memref_slice %arg3[%mul3A_2, %dma_start3A_19] : memref<10240x128xf32, #tpu.memory_space<hbm>> -> memref<640x128xf32, #tpu.memory_space<hbm>>
      tpu.enqueue_dma source(%dma_start3A_20 : memref<640x128xf32, #tpu.memory_space<hbm>>) target(%dma_start3A_18 : memref<640x128xf32, #tpu.memory_space<vmem_shared>>) target_semaphore(%run_scoped3A : memref<!tpu.dma_semaphore, #tpu.memory_space<semaphore_mem>>)
      %dma_wait3A = arith.constant 0 : i32
      %dma_wait3A_21 = tpu.memref_slice %arg13[%mul3A_4, %dma_wait3A] : memref<10240x128xf32, #tpu.memory_space<vmem_shared>> -> memref<640x128xf32, #tpu.memory_space<vmem_shared>>
      %dma_wait3A_22 = arith.constant 0 : i32
      %dma_wait3A_23 = tpu.memref_slice %arg3[%mul3A_2, %dma_wait3A_22] : memref<10240x128xf32, #tpu.memory_space<hbm>> -> memref<640x128xf32, #tpu.memory_space<hbm>>
      tpu.wait_dma2 semaphore(%run_scoped3A : memref<!tpu.dma_semaphore, #tpu.memory_space<semaphore_mem>>) src(%dma_wait3A_23 : memref<640x128xf32, #tpu.memory_space<hbm>>) dst(%dma_wait3A_21 : memref<640x128xf32, #tpu.memory_space<vmem_shared>>)
      tpu.yield
    }) : () -> ()
    %barrier3A = arith.constant 0 : index
    tpu.barrier barrier_id(%barrier3A)
    %scan3A = arith.constant 0 : i32
    %scan3A_5 = arith.constant 0 : i32
    %scan3A_6 = arith.constant 5 : i32
    %scan3A_7 = arith.addi %scan3A_5, %scan3A_6 : i32
    %scan3A_8 = arith.constant 1 : i32
    scf.for %scan3A_18 = %scan3A_5 to %scan3A_7 step %scan3A_8  : i32 {
      "tpu.region"() ({
        %run_scoped3A_69 = tpu.sem_alloc : memref<!tpu.dma_semaphore, #tpu.memory_space<semaphore_mem>>
        %dma_start3A_70 = arith.constant 0 : i32
        %dma_start3A_71 = arith.constant 0 : i32
        %dma_start3A_72 = tpu.memref_slice %arg4[%add3A, %scan3A_18, %dma_start3A_70, %dma_start3A_71] : memref<32x5x25x80xi32, #tpu.memory_space<hbm>> -> memref<1x1x25x80xi32, #tpu.memory_space<hbm>>
        %dma_start3A_73 = tpu.memref_squeeze %dma_start3A_72 : memref<1x1x25x80xi32, #tpu.memory_space<hbm>> -> memref<25x80xi32, #tpu.memory_space<hbm>>
        %dma_start3A_74 = arith.constant 0 : i32
        %dma_start3A_75 = arith.constant 0 : i32
        %dma_start3A_76 = tpu.memref_slice %arg4[%add3A, %scan3A_18, %dma_start3A_74, %dma_start3A_75] : memref<32x5x25x80xi32, #tpu.memory_space<hbm>> -> memref<1x1x25x80xi32, #tpu.memory_space<hbm>>
        %dma_start3A_77 = tpu.memref_squeeze %dma_start3A_76 : memref<1x1x25x80xi32, #tpu.memory_space<hbm>> -> memref<25x80xi32, #tpu.memory_space<hbm>>
        tpu.enqueue_dma source(%dma_start3A_77 : memref<25x80xi32, #tpu.memory_space<hbm>>) target(%arg8 : memref<25x80xi32, #tpu.memory_space<vmem>>) target_semaphore(%run_scoped3A_69 : memref<!tpu.dma_semaphore, #tpu.memory_space<semaphore_mem>>)
        %dma_wait3A_78 = arith.constant 0 : i32
        %dma_wait3A_79 = arith.constant 0 : i32
        %dma_wait3A_80 = tpu.memref_slice %arg4[%add3A, %scan3A_18, %dma_wait3A_78, %dma_wait3A_79] : memref<32x5x25x80xi32, #tpu.memory_space<hbm>> -> memref<1x1x25x80xi32, #tpu.memory_space<hbm>>
        %dma_wait3A_81 = tpu.memref_squeeze %dma_wait3A_80 : memref<1x1x25x80xi32, #tpu.memory_space<hbm>> -> memref<25x80xi32, #tpu.memory_space<hbm>>
        %dma_wait3A_82 = arith.constant 0 : i32
        %dma_wait3A_83 = arith.constant 0 : i32
        %dma_wait3A_84 = tpu.memref_slice %arg4[%add3A, %scan3A_18, %dma_wait3A_82, %dma_wait3A_83] : memref<32x5x25x80xi32, #tpu.memory_space<hbm>> -> memref<1x1x25x80xi32, #tpu.memory_space<hbm>>
        %dma_wait3A_85 = tpu.memref_squeeze %dma_wait3A_84 : memref<1x1x25x80xi32, #tpu.memory_space<hbm>> -> memref<25x80xi32, #tpu.memory_space<hbm>>
        tpu.wait_dma2 semaphore(%run_scoped3A_69 : memref<!tpu.dma_semaphore, #tpu.memory_space<semaphore_mem>>) src(%dma_wait3A_85 : memref<25x80xi32, #tpu.memory_space<hbm>>) dst(%arg8 : memref<25x80xi32, #tpu.memory_space<vmem>>)
        tpu.yield
      }) : () -> ()
      "tpu.region"() ({
        %run_scoped3A_69 = tpu.sem_alloc : memref<!tpu.dma_semaphore, #tpu.memory_space<semaphore_mem>>
        %dma_start3A_70 = arith.constant 0 : i32
        %dma_start3A_71 = arith.constant 0 : i32
        %dma_start3A_72 = tpu.memref_slice %arg5[%add3A, %scan3A_18, %dma_start3A_70, %dma_start3A_71] : memref<32x5x25x80xi32, #tpu.memory_space<hbm>> -> memref<1x1x25x80xi32, #tpu.memory_space<hbm>>
        %dma_start3A_73 = tpu.memref_squeeze %dma_start3A_72 : memref<1x1x25x80xi32, #tpu.memory_space<hbm>> -> memref<25x80xi32, #tpu.memory_space<hbm>>
        %dma_start3A_74 = arith.constant 0 : i32
        %dma_start3A_75 = arith.constant 0 : i32
        %dma_start3A_76 = tpu.memref_slice %arg5[%add3A, %scan3A_18, %dma_start3A_74, %dma_start3A_75] : memref<32x5x25x80xi32, #tpu.memory_space<hbm>> -> memref<1x1x25x80xi32, #tpu.memory_space<hbm>>
        %dma_start3A_77 = tpu.memref_squeeze %dma_start3A_76 : memref<1x1x25x80xi32, #tpu.memory_space<hbm>> -> memref<25x80xi32, #tpu.memory_space<hbm>>
        tpu.enqueue_dma source(%dma_start3A_77 : memref<25x80xi32, #tpu.memory_space<hbm>>) target(%arg9 : memref<25x80xi32, #tpu.memory_space<vmem>>) target_semaphore(%run_scoped3A_69 : memref<!tpu.dma_semaphore, #tpu.memory_space<semaphore_mem>>)
        %dma_wait3A_78 = arith.constant 0 : i32
        %dma_wait3A_79 = arith.constant 0 : i32
        %dma_wait3A_80 = tpu.memref_slice %arg5[%add3A, %scan3A_18, %dma_wait3A_78, %dma_wait3A_79] : memref<32x5x25x80xi32, #tpu.memory_space<hbm>> -> memref<1x1x25x80xi32, #tpu.memory_space<hbm>>
        %dma_wait3A_81 = tpu.memref_squeeze %dma_wait3A_80 : memref<1x1x25x80xi32, #tpu.memory_space<hbm>> -> memref<25x80xi32, #tpu.memory_space<hbm>>
        %dma_wait3A_82 = arith.constant 0 : i32
        %dma_wait3A_83 = arith.constant 0 : i32
        %dma_wait3A_84 = tpu.memref_slice %arg5[%add3A, %scan3A_18, %dma_wait3A_82, %dma_wait3A_83] : memref<32x5x25x80xi32, #tpu.memory_space<hbm>> -> memref<1x1x25x80xi32, #tpu.memory_space<hbm>>
        %dma_wait3A_85 = tpu.memref_squeeze %dma_wait3A_84 : memref<1x1x25x80xi32, #tpu.memory_space<hbm>> -> memref<25x80xi32, #tpu.memory_space<hbm>>
        tpu.wait_dma2 semaphore(%run_scoped3A_69 : memref<!tpu.dma_semaphore, #tpu.memory_space<semaphore_mem>>) src(%dma_wait3A_85 : memref<25x80xi32, #tpu.memory_space<hbm>>) dst(%arg9 : memref<25x80xi32, #tpu.memory_space<vmem>>)
        tpu.yield
      }) : () -> ()
      "tpu.region"() ({
        %run_scoped3A_69 = tpu.sem_alloc : memref<!tpu.dma_semaphore, #tpu.memory_space<semaphore_mem>>
        %dma_start3A_70 = arith.constant 0 : i32
        %dma_start3A_71 = arith.constant 0 : i32
        %dma_start3A_72 = tpu.memref_slice %arg6[%add3A, %scan3A_18, %dma_start3A_70, %dma_start3A_71] : memref<32x5x25x80xi32, #tpu.memory_space<hbm>> -> memref<1x1x25x80xi32, #tpu.memory_space<hbm>>
        %dma_start3A_73 = tpu.memref_squeeze %dma_start3A_72 : memref<1x1x25x80xi32, #tpu.memory_space<hbm>> -> memref<25x80xi32, #tpu.memory_space<hbm>>
        %dma_start3A_74 = arith.constant 0 : i32
        %dma_start3A_75 = arith.constant 0 : i32
        %dma_start3A_76 = tpu.memref_slice %arg6[%add3A, %scan3A_18, %dma_start3A_74, %dma_start3A_75] : memref<32x5x25x80xi32, #tpu.memory_space<hbm>> -> memref<1x1x25x80xi32, #tpu.memory_space<hbm>>
        %dma_start3A_77 = tpu.memref_squeeze %dma_start3A_76 : memref<1x1x25x80xi32, #tpu.memory_space<hbm>> -> memref<25x80xi32, #tpu.memory_space<hbm>>
        tpu.enqueue_dma source(%dma_start3A_77 : memref<25x80xi32, #tpu.memory_space<hbm>>) target(%arg10 : memref<25x80xi32, #tpu.memory_space<vmem>>) target_semaphore(%run_scoped3A_69 : memref<!tpu.dma_semaphore, #tpu.memory_space<semaphore_mem>>)
        %dma_wait3A_78 = arith.constant 0 : i32
        %dma_wait3A_79 = arith.constant 0 : i32
        %dma_wait3A_80 = tpu.memref_slice %arg6[%add3A, %scan3A_18, %dma_wait3A_78, %dma_wait3A_79] : memref<32x5x25x80xi32, #tpu.memory_space<hbm>> -> memref<1x1x25x80xi32, #tpu.memory_space<hbm>>
        %dma_wait3A_81 = tpu.memref_squeeze %dma_wait3A_80 : memref<1x1x25x80xi32, #tpu.memory_space<hbm>> -> memref<25x80xi32, #tpu.memory_space<hbm>>
        %dma_wait3A_82 = arith.constant 0 : i32
        %dma_wait3A_83 = arith.constant 0 : i32
        %dma_wait3A_84 = tpu.memref_slice %arg6[%add3A, %scan3A_18, %dma_wait3A_82, %dma_wait3A_83] : memref<32x5x25x80xi32, #tpu.memory_space<hbm>> -> memref<1x1x25x80xi32, #tpu.memory_space<hbm>>
        %dma_wait3A_85 = tpu.memref_squeeze %dma_wait3A_84 : memref<1x1x25x80xi32, #tpu.memory_space<hbm>> -> memref<25x80xi32, #tpu.memory_space<hbm>>
        tpu.wait_dma2 semaphore(%run_scoped3A_69 : memref<!tpu.dma_semaphore, #tpu.memory_space<semaphore_mem>>) src(%dma_wait3A_85 : memref<25x80xi32, #tpu.memory_space<hbm>>) dst(%arg10 : memref<25x80xi32, #tpu.memory_space<vmem>>)
        tpu.yield
      }) : () -> ()
      %scan3A_19 = arith.constant 0 : i32
      %scan3A_20 = arith.constant 0 : i32
      %scan3A_21 = arith.constant 25 : i32
      %scan3A_22 = arith.addi %scan3A_20, %scan3A_21 : i32
      %scan3A_23 = arith.constant 1 : i32
      scf.for %scan3A_69 = %scan3A_20 to %scan3A_22 step %scan3A_23  : i32 {
        %get3A = arith.index_cast %scan3A_69 : i32 to index
        %get3A_70 = arith.constant 0 : index
        %get3A_71 = tpu.vector_load %arg8[%get3A, %get3A_70] {strides = array<i32>} : memref<25x80xi32, #tpu.memory_space<vmem>>, vector<1x16xi32>,
        %get3A_72 = vector.shape_cast %get3A_71 : vector<1x16xi32> to vector<16xi32>
        %mul3A_73 = arith.constant 8 : i32
        %mul3A_74 = vector.broadcast %mul3A_73 : i32 to vector<16xi32>
        %mul3A_75 = arith.muli %get3A_72, %mul3A_74 : vector<16xi32>
        %get3A_76 = arith.index_cast %scan3A_69 : i32 to index
        %get3A_77 = arith.constant 0 : index
        %get3A_78 = tpu.vector_load %arg9[%get3A_76, %get3A_77] {strides = array<i32>} : memref<25x80xi32, #tpu.memory_space<vmem>>, vector<1x16xi32>,
        %get3A_79 = vector.shape_cast %get3A_78 : vector<1x16xi32> to vector<16xi32>
        %add3A_80 = arith.addi %mul3A_75, %get3A_79 : vector<16xi32>
        %swap3A = arith.index_cast %scan3A_69 : i32 to index
        %swap3A_81 = arith.constant 0 : index
        %swap3A_82 = tpu.vector_load %arg8[%swap3A, %swap3A_81] {strides = array<i32>} : memref<25x80xi32, #tpu.memory_space<vmem>>, vector<1x16xi32>,
        %swap3A_83 = vector.shape_cast %swap3A_82 : vector<1x16xi32> to vector<16xi32>
        %swap3A_84 = vector.shape_cast %add3A_80 : vector<16xi32> to vector<1x16xi32>
        tpu.vector_store %arg8[%swap3A, %swap3A_81], %swap3A_84 {strides = array<i32>} : memref<25x80xi32, #tpu.memory_space<vmem>>, vector<1x16xi32>,
        %get3A_85 = arith.index_cast %scan3A_69 : i32 to index
        %get3A_86 = arith.constant 16 : index
        %get3A_87 = tpu.vector_load %arg8[%get3A_85, %get3A_86] {strides = array<i32>} : memref<25x80xi32, #tpu.memory_space<vmem>>, vector<1x16xi32>,
        %get3A_88 = vector.shape_cast %get3A_87 : vector<1x16xi32> to vector<16xi32>
        %mul3A_89 = arith.constant 8 : i32
        %mul3A_90 = vector.broadcast %mul3A_89 : i32 to vector<16xi32>
        %mul3A_91 = arith.muli %get3A_88, %mul3A_90 : vector<16xi32>
        %get3A_92 = arith.index_cast %scan3A_69 : i32 to index
        %get3A_93 = arith.constant 16 : index
        %get3A_94 = tpu.vector_load %arg9[%get3A_92, %get3A_93] {strides = array<i32>} : memref<25x80xi32, #tpu.memory_space<vmem>>, vector<1x16xi32>,
        %get3A_95 = vector.shape_cast %get3A_94 : vector<1x16xi32> to vector<16xi32>
        %add3A_96 = arith.addi %mul3A_91, %get3A_95 : vector<16xi32>
        %swap3A_97 = arith.index_cast %scan3A_69 : i32 to index
        %swap3A_98 = arith.constant 16 : index
        %swap3A_99 = tpu.vector_load %arg8[%swap3A_97, %swap3A_98] {strides = array<i32>} : memref<25x80xi32, #tpu.memory_space<vmem>>, vector<1x16xi32>,
        %swap3A_100 = vector.shape_cast %swap3A_99 : vector<1x16xi32> to vector<16xi32>
        %swap3A_101 = vector.shape_cast %add3A_96 : vector<16xi32> to vector<1x16xi32>
        tpu.vector_store %arg8[%swap3A_97, %swap3A_98], %swap3A_101 {strides = array<i32>} : memref<25x80xi32, #tpu.memory_space<vmem>>, vector<1x16xi32>,
        %get3A_102 = arith.index_cast %scan3A_69 : i32 to index
        %get3A_103 = arith.constant 32 : index
        %get3A_104 = tpu.vector_load %arg8[%get3A_102, %get3A_103] {strides = array<i32>} : memref<25x80xi32, #tpu.memory_space<vmem>>, vector<1x16xi32>,
        %get3A_105 = vector.shape_cast %get3A_104 : vector<1x16xi32> to vector<16xi32>
        %mul3A_106 = arith.constant 8 : i32
        %mul3A_107 = vector.broadcast %mul3A_106 : i32 to vector<16xi32>
        %mul3A_108 = arith.muli %get3A_105, %mul3A_107 : vector<16xi32>
        %get3A_109 = arith.index_cast %scan3A_69 : i32 to index
        %get3A_110 = arith.constant 32 : index
        %get3A_111 = tpu.vector_load %arg9[%get3A_109, %get3A_110] {strides = array<i32>} : memref<25x80xi32, #tpu.memory_space<vmem>>, vector<1x16xi32>,
        %get3A_112 = vector.shape_cast %get3A_111 : vector<1x16xi32> to vector<16xi32>
        %add3A_113 = arith.addi %mul3A_108, %get3A_112 : vector<16xi32>
        %swap3A_114 = arith.index_cast %scan3A_69 : i32 to index
        %swap3A_115 = arith.constant 32 : index
        %swap3A_116 = tpu.vector_load %arg8[%swap3A_114, %swap3A_115] {strides = array<i32>} : memref<25x80xi32, #tpu.memory_space<vmem>>, vector<1x16xi32>,
        %swap3A_117 = vector.shape_cast %swap3A_116 : vector<1x16xi32> to vector<16xi32>
        %swap3A_118 = vector.shape_cast %add3A_113 : vector<16xi32> to vector<1x16xi32>
        tpu.vector_store %arg8[%swap3A_114, %swap3A_115], %swap3A_118 {strides = array<i32>} : memref<25x80xi32, #tpu.memory_space<vmem>>, vector<1x16xi32>,
        %get3A_119 = arith.index_cast %scan3A_69 : i32 to index
        %get3A_120 = arith.constant 48 : index
        %get3A_121 = tpu.vector_load %arg8[%get3A_119, %get3A_120] {strides = array<i32>} : memref<25x80xi32, #tpu.memory_space<vmem>>, vector<1x16xi32>,
        %get3A_122 = vector.shape_cast %get3A_121 : vector<1x16xi32> to vector<16xi32>
        %mul3A_123 = arith.constant 8 : i32
        %mul3A_124 = vector.broadcast %mul3A_123 : i32 to vector<16xi32>
        %mul3A_125 = arith.muli %get3A_122, %mul3A_124 : vector<16xi32>
        %get3A_126 = arith.index_cast %scan3A_69 : i32 to index
        %get3A_127 = arith.constant 48 : index
        %get3A_128 = tpu.vector_load %arg9[%get3A_126, %get3A_127] {strides = array<i32>} : memref<25x80xi32, #tpu.memory_space<vmem>>, vector<1x16xi32>,
        %get3A_129 = vector.shape_cast %get3A_128 : vector<1x16xi32> to vector<16xi32>
        %add3A_130 = arith.addi %mul3A_125, %get3A_129 : vector<16xi32>
        %swap3A_131 = arith.index_cast %scan3A_69 : i32 to index
        %swap3A_132 = arith.constant 48 : index
        %swap3A_133 = tpu.vector_load %arg8[%swap3A_131, %swap3A_132] {strides = array<i32>} : memref<25x80xi32, #tpu.memory_space<vmem>>, vector<1x16xi32>,
        %swap3A_134 = vector.shape_cast %swap3A_133 : vector<1x16xi32> to vector<16xi32>
        %swap3A_135 = vector.shape_cast %add3A_130 : vector<16xi32> to vector<1x16xi32>
        tpu.vector_store %arg8[%swap3A_131, %swap3A_132], %swap3A_135 {strides = array<i32>} : memref<25x80xi32, #tpu.memory_space<vmem>>, vector<1x16xi32>,
        %get3A_136 = arith.index_cast %scan3A_69 : i32 to index
        %get3A_137 = arith.constant 64 : index
        %get3A_138 = tpu.vector_load %arg8[%get3A_136, %get3A_137] {strides = array<i32>} : memref<25x80xi32, #tpu.memory_space<vmem>>, vector<1x16xi32>,
        %get3A_139 = vector.shape_cast %get3A_138 : vector<1x16xi32> to vector<16xi32>
        %mul3A_140 = arith.constant 8 : i32
        %mul3A_141 = vector.broadcast %mul3A_140 : i32 to vector<16xi32>
        %mul3A_142 = arith.muli %get3A_139, %mul3A_141 : vector<16xi32>
        %get3A_143 = arith.index_cast %scan3A_69 : i32 to index
        %get3A_144 = arith.constant 64 : index
        %get3A_145 = tpu.vector_load %arg9[%get3A_143, %get3A_144] {strides = array<i32>} : memref<25x80xi32, #tpu.memory_space<vmem>>, vector<1x16xi32>,
        %get3A_146 = vector.shape_cast %get3A_145 : vector<1x16xi32> to vector<16xi32>
        %add3A_147 = arith.addi %mul3A_142, %get3A_146 : vector<16xi32>
        %swap3A_148 = arith.index_cast %scan3A_69 : i32 to index
        %swap3A_149 = arith.constant 64 : index
        %swap3A_150 = tpu.vector_load %arg8[%swap3A_148, %swap3A_149] {strides = array<i32>} : memref<25x80xi32, #tpu.memory_space<vmem>>, vector<1x16xi32>,
        %swap3A_151 = vector.shape_cast %swap3A_150 : vector<1x16xi32> to vector<16xi32>
        %swap3A_152 = vector.shape_cast %add3A_147 : vector<16xi32> to vector<1x16xi32>
        tpu.vector_store %arg8[%swap3A_148, %swap3A_149], %swap3A_152 {strides = array<i32>} : memref<25x80xi32, #tpu.memory_space<vmem>>, vector<1x16xi32>,
      }
      %scan3A_24 = arith.constant 25 : i32
      %dma_start3A = arith.constant 0 : i32
      %dma_start3A_25 = arith.constant 0 : i32
      %dma_start3A_26 = arith.constant 0 : i32
      %dma_start3A_27 = tpu.memref_slice %arg11[%dma_start3A_25, %dma_start3A_26] : memref<80x128xf32, #tpu.memory_space<vmem>> -> memref<40x128xf32, #tpu.memory_space<vmem>>
      %dma_start3A_28 = arith.constant 0 : i32
      %dma_start3A_29 = tpu.memref_slice %arg8[%dma_start3A, %dma_start3A_28] : memref<25x80xi32, #tpu.memory_space<vmem>> -> memref<1x40xi32, #tpu.memory_space<vmem>>
      %dma_start3A_30 = tpu.memref_squeeze %dma_start3A_29 : memref<1x40xi32, #tpu.memory_space<vmem>> -> memref<40xi32, #tpu.memory_space<vmem>>
      %dma_start3A_31 = arith.constant 0 : i32
      %dma_start3A_32 = arith.constant 0 : i32
      %dma_start3A_33 = tpu.memref_slice %arg2[%dma_start3A_31, %dma_start3A_32] : memref<80000x128xf32, #tpu.memory_space<hbm>> -> memref<80000x128xf32, #tpu.memory_space<hbm>>
      tpu.enqueue_indirect_dma source(%dma_start3A_33 : memref<80000x128xf32, #tpu.memory_space<hbm>>) target(%dma_start3A_27 : memref<40x128xf32, #tpu.memory_space<vmem>>) offsets(%dma_start3A_30 : memref<40xi32, #tpu.memory_space<vmem>>) semaphore(%arg14 : memref<!tpu.dma_semaphore, #tpu.memory_space<semaphore_mem>>)
      %dma_start3A_34 = arith.constant 0 : i32
      %dma_start3A_35 = arith.constant 40 : i32
      %dma_start3A_36 = arith.constant 0 : i32
      %dma_start3A_37 = tpu.memref_slice %arg11[%dma_start3A_35, %dma_start3A_36] : memref<80x128xf32, #tpu.memory_space<vmem>> -> memref<40x128xf32, #tpu.memory_space<vmem>>
      %dma_start3A_38 = arith.constant 40 : i32
      %dma_start3A_39 = tpu.memref_slice %arg8[%dma_start3A_34, %dma_start3A_38] : memref<25x80xi32, #tpu.memory_space<vmem>> -> memref<1x40xi32, #tpu.memory_space<vmem>>
      %dma_start3A_40 = tpu.memref_squeeze %dma_start3A_39 : memref<1x40xi32, #tpu.memory_space<vmem>> -> memref<40xi32, #tpu.memory_space<vmem>>
      %dma_start3A_41 = arith.constant 0 : i32
      %dma_start3A_42 = arith.constant 0 : i32
      %dma_start3A_43 = tpu.memref_slice %arg2[%dma_start3A_41, %dma_start3A_42] : memref<80000x128xf32, #tpu.memory_space<hbm>> -> memref<80000x128xf32, #tpu.memory_space<hbm>>
      tpu.enqueue_indirect_dma source(%dma_start3A_43 : memref<80000x128xf32, #tpu.memory_space<hbm>>) target(%dma_start3A_37 : memref<40x128xf32, #tpu.memory_space<vmem>>) offsets(%dma_start3A_40 : memref<40xi32, #tpu.memory_space<vmem>>) semaphore(%arg14 : memref<!tpu.dma_semaphore, #tpu.memory_space<semaphore_mem>>)
      %scan3A_44 = arith.constant 0 : i32
      %scan3A_45 = arith.constant 0 : i32
      %scan3A_46 = arith.constant 12 : i32
      %scan3A_47 = arith.addi %scan3A_45, %scan3A_46 : i32
      %scan3A_48 = arith.constant 1 : i32
      scf.for %scan3A_69 = %scan3A_45 to %scan3A_47 step %scan3A_48  : i32 {
        %mul3A_70 = arith.constant 2 : i32
        %mul3A_71 = arith.muli %mul3A_70, %scan3A_69 : i32
        %add3A_72 = arith.constant 1 : i32
        %add3A_73 = arith.addi %mul3A_71, %add3A_72 : i32
        %dma_start3A_74 = arith.constant 0 : i32
        %dma_start3A_75 = arith.constant 0 : i32
        %dma_start3A_76 = tpu.memref_slice %arg12[%dma_start3A_74, %dma_start3A_75] : memref<80x128xf32, #tpu.memory_space<vmem>> -> memref<40x128xf32, #tpu.memory_space<vmem>>
        %dma_start3A_77 = arith.constant 0 : i32
        %dma_start3A_78 = tpu.memref_slice %arg8[%add3A_73, %dma_start3A_77] : memref<25x80xi32, #tpu.memory_space<vmem>> -> memref<1x40xi32, #tpu.memory_space<vmem>>
        %dma_start3A_79 = tpu.memref_squeeze %dma_start3A_78 : memref<1x40xi32, #tpu.memory_space<vmem>> -> memref<40xi32, #tpu.memory_space<vmem>>
        %dma_start3A_80 = arith.constant 0 : i32
        %dma_start3A_81 = arith.constant 0 : i32
        %dma_start3A_82 = tpu.memref_slice %arg2[%dma_start3A_80, %dma_start3A_81] : memref<80000x128xf32, #tpu.memory_space<hbm>> -> memref<80000x128xf32, #tpu.memory_space<hbm>>
        tpu.enqueue_indirect_dma source(%dma_start3A_82 : memref<80000x128xf32, #tpu.memory_space<hbm>>) target(%dma_start3A_76 : memref<40x128xf32, #tpu.memory_space<vmem>>) offsets(%dma_start3A_79 : memref<40xi32, #tpu.memory_space<vmem>>) semaphore(%arg15 : memref<!tpu.dma_semaphore, #tpu.memory_space<semaphore_mem>>)
        %dma_start3A_83 = arith.constant 40 : i32
        %dma_start3A_84 = arith.constant 0 : i32
        %dma_start3A_85 = tpu.memref_slice %arg12[%dma_start3A_83, %dma_start3A_84] : memref<80x128xf32, #tpu.memory_space<vmem>> -> memref<40x128xf32, #tpu.memory_space<vmem>>
        %dma_start3A_86 = arith.constant 40 : i32
        %dma_start3A_87 = tpu.memref_slice %arg8[%add3A_73, %dma_start3A_86] : memref<25x80xi32, #tpu.memory_space<vmem>> -> memref<1x40xi32, #tpu.memory_space<vmem>>
        %dma_start3A_88 = tpu.memref_squeeze %dma_start3A_87 : memref<1x40xi32, #tpu.memory_space<vmem>> -> memref<40xi32, #tpu.memory_space<vmem>>
        %dma_start3A_89 = arith.constant 0 : i32
        %dma_start3A_90 = arith.constant 0 : i32
        %dma_start3A_91 = tpu.memref_slice %arg2[%dma_start3A_89, %dma_start3A_90] : memref<80000x128xf32, #tpu.memory_space<hbm>> -> memref<80000x128xf32, #tpu.memory_space<hbm>>
        tpu.enqueue_indirect_dma source(%dma_start3A_91 : memref<80000x128xf32, #tpu.memory_space<hbm>>) target(%dma_start3A_85 : memref<40x128xf32, #tpu.memory_space<vmem>>) offsets(%dma_start3A_88 : memref<40xi32, #tpu.memory_space<vmem>>) semaphore(%arg15 : memref<!tpu.dma_semaphore, #tpu.memory_space<semaphore_mem>>)
        %dma_wait3A_92 = arith.constant 0 : i32
        %dma_wait3A_93 = arith.constant 0 : i32
        %dma_wait3A_94 = tpu.memref_slice %arg11[%dma_wait3A_92, %dma_wait3A_93] : memref<80x128xf32, #tpu.memory_space<vmem>> -> memref<40x128xf32, #tpu.memory_space<vmem>>
        %dma_wait3A_95 = arith.constant 0 : i32
        %dma_wait3A_96 = tpu.memref_slice %arg8[%mul3A_71, %dma_wait3A_95] : memref<25x80xi32, #tpu.memory_space<vmem>> -> memref<1x40xi32, #tpu.memory_space<vmem>>
        %dma_wait3A_97 = tpu.memref_squeeze %dma_wait3A_96 : memref<1x40xi32, #tpu.memory_space<vmem>> -> memref<40xi32, #tpu.memory_space<vmem>>
        %dma_wait3A_98 = arith.constant 0 : i32
        %dma_wait3A_99 = arith.constant 0 : i32
        %dma_wait3A_100 = tpu.memref_slice %arg2[%dma_wait3A_98, %dma_wait3A_99] : memref<80000x128xf32, #tpu.memory_space<hbm>> -> memref<80000x128xf32, #tpu.memory_space<hbm>>
        tpu.wait_indirect_dma semaphore(%arg14 : memref<!tpu.dma_semaphore, #tpu.memory_space<semaphore_mem>>) src(%dma_wait3A_100 : memref<80000x128xf32, #tpu.memory_space<hbm>>) dst(%dma_wait3A_94 : memref<40x128xf32, #tpu.memory_space<vmem>>)
        %dma_wait3A_101 = arith.constant 40 : i32
        %dma_wait3A_102 = arith.constant 0 : i32
        %dma_wait3A_103 = tpu.memref_slice %arg11[%dma_wait3A_101, %dma_wait3A_102] : memref<80x128xf32, #tpu.memory_space<vmem>> -> memref<40x128xf32, #tpu.memory_space<vmem>>
        %dma_wait3A_104 = arith.constant 40 : i32
        %dma_wait3A_105 = tpu.memref_slice %arg8[%mul3A_71, %dma_wait3A_104] : memref<25x80xi32, #tpu.memory_space<vmem>> -> memref<1x40xi32, #tpu.memory_space<vmem>>
        %dma_wait3A_106 = tpu.memref_squeeze %dma_wait3A_105 : memref<1x40xi32, #tpu.memory_space<vmem>> -> memref<40xi32, #tpu.memory_space<vmem>>
        %dma_wait3A_107 = arith.constant 0 : i32
        %dma_wait3A_108 = arith.constant 0 : i32
        %dma_wait3A_109 = tpu.memref_slice %arg2[%dma_wait3A_107, %dma_wait3A_108] : memref<80000x128xf32, #tpu.memory_space<hbm>> -> memref<80000x128xf32, #tpu.memory_space<hbm>>
        tpu.wait_indirect_dma semaphore(%arg14 : memref<!tpu.dma_semaphore, #tpu.memory_space<semaphore_mem>>) src(%dma_wait3A_109 : memref<80000x128xf32, #tpu.memory_space<hbm>>) dst(%dma_wait3A_103 : memref<40x128xf32, #tpu.memory_space<vmem>>)
        "tpu.region"() ({
          %run_scoped3A_152 = tpu.sem_alloc : memref<!tpu.dma_semaphore, #tpu.memory_space<semaphore_mem>>
          %dma_start3A_153 = arith.constant 0 : i32
          %dma_start3A_154 = tpu.memref_slice %arg10[%mul3A_71, %dma_start3A_153] : memref<25x80xi32, #tpu.memory_space<vmem>> -> memref<1x80xi32, #tpu.memory_space<vmem>>
          %dma_start3A_155 = tpu.memref_squeeze %dma_start3A_154 : memref<1x80xi32, #tpu.memory_space<vmem>> -> memref<80xi32, #tpu.memory_space<vmem>>
          %dma_start3A_156 = arith.constant 0 : i32
          %dma_start3A_157 = arith.constant 0 : i32
          %dma_start3A_158 = tpu.memref_slice %arg13[%dma_start3A_156, %dma_start3A_157] : memref<10240x128xf32, #tpu.memory_space<vmem_shared>> -> memref<10240x128xf32, #tpu.memory_space<vmem_shared>>
          tpu.enqueue_indirect_dma source(%arg11 : memref<80x128xf32, #tpu.memory_space<vmem>>) target(%dma_start3A_158 : memref<10240x128xf32, #tpu.memory_space<vmem_shared>>) offsets(%dma_start3A_155 : memref<80xi32, #tpu.memory_space<vmem>>) semaphore(%run_scoped3A_152 : memref<!tpu.dma_semaphore, #tpu.memory_space<semaphore_mem>>) {add = true}
          %dma_wait3A_159 = arith.constant 0 : i32
          %dma_wait3A_160 = tpu.memref_slice %arg10[%mul3A_71, %dma_wait3A_159] : memref<25x80xi32, #tpu.memory_space<vmem>> -> memref<1x80xi32, #tpu.memory_space<vmem>>
          %dma_wait3A_161 = tpu.memref_squeeze %dma_wait3A_160 : memref<1x80xi32, #tpu.memory_space<vmem>> -> memref<80xi32, #tpu.memory_space<vmem>>
          %dma_wait3A_162 = arith.constant 0 : i32
          %dma_wait3A_163 = arith.constant 0 : i32
          %dma_wait3A_164 = tpu.memref_slice %arg13[%dma_wait3A_162, %dma_wait3A_163] : memref<10240x128xf32, #tpu.memory_space<vmem_shared>> -> memref<10240x128xf32, #tpu.memory_space<vmem_shared>>
          tpu.wait_indirect_dma semaphore(%run_scoped3A_152 : memref<!tpu.dma_semaphore, #tpu.memory_space<semaphore_mem>>) src(%arg11 : memref<80x128xf32, #tpu.memory_space<vmem>>) dst(%dma_wait3A_164 : memref<10240x128xf32, #tpu.memory_space<vmem_shared>>)
          tpu.yield
        }) : () -> ()
        %add3A_110 = arith.constant 2 : i32
        %add3A_111 = arith.addi %mul3A_71, %add3A_110 : i32
        %dma_start3A_112 = arith.constant 0 : i32
        %dma_start3A_113 = arith.constant 0 : i32
        %dma_start3A_114 = tpu.memref_slice %arg11[%dma_start3A_112, %dma_start3A_113] : memref<80x128xf32, #tpu.memory_space<vmem>> -> memref<40x128xf32, #tpu.memory_space<vmem>>
        %dma_start3A_115 = arith.constant 0 : i32
        %dma_start3A_116 = tpu.memref_slice %arg8[%add3A_111, %dma_start3A_115] : memref<25x80xi32, #tpu.memory_space<vmem>> -> memref<1x40xi32, #tpu.memory_space<vmem>>
        %dma_start3A_117 = tpu.memref_squeeze %dma_start3A_116 : memref<1x40xi32, #tpu.memory_space<vmem>> -> memref<40xi32, #tpu.memory_space<vmem>>
        %dma_start3A_118 = arith.constant 0 : i32
        %dma_start3A_119 = arith.constant 0 : i32
        %dma_start3A_120 = tpu.memref_slice %arg2[%dma_start3A_118, %dma_start3A_119] : memref<80000x128xf32, #tpu.memory_space<hbm>> -> memref<80000x128xf32, #tpu.memory_space<hbm>>
        tpu.enqueue_indirect_dma source(%dma_start3A_120 : memref<80000x128xf32, #tpu.memory_space<hbm>>) target(%dma_start3A_114 : memref<40x128xf32, #tpu.memory_space<vmem>>) offsets(%dma_start3A_117 : memref<40xi32, #tpu.memory_space<vmem>>) semaphore(%arg14 : memref<!tpu.dma_semaphore, #tpu.memory_space<semaphore_mem>>)
        %dma_start3A_121 = arith.constant 40 : i32
        %dma_start3A_122 = arith.constant 0 : i32
        %dma_start3A_123 = tpu.memref_slice %arg11[%dma_start3A_121, %dma_start3A_122] : memref<80x128xf32, #tpu.memory_space<vmem>> -> memref<40x128xf32, #tpu.memory_space<vmem>>
        %dma_start3A_124 = arith.constant 40 : i32
        %dma_start3A_125 = tpu.memref_slice %arg8[%add3A_111, %dma_start3A_124] : memref<25x80xi32, #tpu.memory_space<vmem>> -> memref<1x40xi32, #tpu.memory_space<vmem>>
        %dma_start3A_126 = tpu.memref_squeeze %dma_start3A_125 : memref<1x40xi32, #tpu.memory_space<vmem>> -> memref<40xi32, #tpu.memory_space<vmem>>
        %dma_start3A_127 = arith.constant 0 : i32
        %dma_start3A_128 = arith.constant 0 : i32
        %dma_start3A_129 = tpu.memref_slice %arg2[%dma_start3A_127, %dma_start3A_128] : memref<80000x128xf32, #tpu.memory_space<hbm>> -> memref<80000x128xf32, #tpu.memory_space<hbm>>
        tpu.enqueue_indirect_dma source(%dma_start3A_129 : memref<80000x128xf32, #tpu.memory_space<hbm>>) target(%dma_start3A_123 : memref<40x128xf32, #tpu.memory_space<vmem>>) offsets(%dma_start3A_126 : memref<40xi32, #tpu.memory_space<vmem>>) semaphore(%arg14 : memref<!tpu.dma_semaphore, #tpu.memory_space<semaphore_mem>>)
        %add3A_130 = arith.constant 1 : i32
        %add3A_131 = arith.addi %mul3A_71, %add3A_130 : i32
        %dma_wait3A_132 = arith.constant 0 : i32
        %dma_wait3A_133 = arith.constant 0 : i32
        %dma_wait3A_134 = tpu.memref_slice %arg12[%dma_wait3A_132, %dma_wait3A_133] : memref<80x128xf32, #tpu.memory_space<vmem>> -> memref<40x128xf32, #tpu.memory_space<vmem>>
        %dma_wait3A_135 = arith.constant 0 : i32
        %dma_wait3A_136 = tpu.memref_slice %arg8[%add3A_131, %dma_wait3A_135] : memref<25x80xi32, #tpu.memory_space<vmem>> -> memref<1x40xi32, #tpu.memory_space<vmem>>
        %dma_wait3A_137 = tpu.memref_squeeze %dma_wait3A_136 : memref<1x40xi32, #tpu.memory_space<vmem>> -> memref<40xi32, #tpu.memory_space<vmem>>
        %dma_wait3A_138 = arith.constant 0 : i32
        %dma_wait3A_139 = arith.constant 0 : i32
        %dma_wait3A_140 = tpu.memref_slice %arg2[%dma_wait3A_138, %dma_wait3A_139] : memref<80000x128xf32, #tpu.memory_space<hbm>> -> memref<80000x128xf32, #tpu.memory_space<hbm>>
        tpu.wait_indirect_dma semaphore(%arg15 : memref<!tpu.dma_semaphore, #tpu.memory_space<semaphore_mem>>) src(%dma_wait3A_140 : memref<80000x128xf32, #tpu.memory_space<hbm>>) dst(%dma_wait3A_134 : memref<40x128xf32, #tpu.memory_space<vmem>>)
        %dma_wait3A_141 = arith.constant 40 : i32
        %dma_wait3A_142 = arith.constant 0 : i32
        %dma_wait3A_143 = tpu.memref_slice %arg12[%dma_wait3A_141, %dma_wait3A_142] : memref<80x128xf32, #tpu.memory_space<vmem>> -> memref<40x128xf32, #tpu.memory_space<vmem>>
        %dma_wait3A_144 = arith.constant 40 : i32
        %dma_wait3A_145 = tpu.memref_slice %arg8[%add3A_131, %dma_wait3A_144] : memref<25x80xi32, #tpu.memory_space<vmem>> -> memref<1x40xi32, #tpu.memory_space<vmem>>
        %dma_wait3A_146 = tpu.memref_squeeze %dma_wait3A_145 : memref<1x40xi32, #tpu.memory_space<vmem>> -> memref<40xi32, #tpu.memory_space<vmem>>
        %dma_wait3A_147 = arith.constant 0 : i32
        %dma_wait3A_148 = arith.constant 0 : i32
        %dma_wait3A_149 = tpu.memref_slice %arg2[%dma_wait3A_147, %dma_wait3A_148] : memref<80000x128xf32, #tpu.memory_space<hbm>> -> memref<80000x128xf32, #tpu.memory_space<hbm>>
        tpu.wait_indirect_dma semaphore(%arg15 : memref<!tpu.dma_semaphore, #tpu.memory_space<semaphore_mem>>) src(%dma_wait3A_149 : memref<80000x128xf32, #tpu.memory_space<hbm>>) dst(%dma_wait3A_143 : memref<40x128xf32, #tpu.memory_space<vmem>>)
        %add3A_150 = arith.constant 1 : i32
        %add3A_151 = arith.addi %mul3A_71, %add3A_150 : i32
        "tpu.region"() ({
          %run_scoped3A_152 = tpu.sem_alloc : memref<!tpu.dma_semaphore, #tpu.memory_space<semaphore_mem>>
          %dma_start3A_153 = arith.constant 0 : i32
          %dma_start3A_154 = tpu.memref_slice %arg10[%add3A_151, %dma_start3A_153] : memref<25x80xi32, #tpu.memory_space<vmem>> -> memref<1x80xi32, #tpu.memory_space<vmem>>
          %dma_start3A_155 = tpu.memref_squeeze %dma_start3A_154 : memref<1x80xi32, #tpu.memory_space<vmem>> -> memref<80xi32, #tpu.memory_space<vmem>>
          %dma_start3A_156 = arith.constant 0 : i32
          %dma_start3A_157 = arith.constant 0 : i32
          %dma_start3A_158 = tpu.memref_slice %arg13[%dma_start3A_156, %dma_start3A_157] : memref<10240x128xf32, #tpu.memory_space<vmem_shared>> -> memref<10240x128xf32, #tpu.memory_space<vmem_shared>>
          tpu.enqueue_indirect_dma source(%arg12 : memref<80x128xf32, #tpu.memory_space<vmem>>) target(%dma_start3A_158 : memref<10240x128xf32, #tpu.memory_space<vmem_shared>>) offsets(%dma_start3A_155 : memref<80xi32, #tpu.memory_space<vmem>>) semaphore(%run_scoped3A_152 : memref<!tpu.dma_semaphore, #tpu.memory_space<semaphore_mem>>) {add = true}
          %dma_wait3A_159 = arith.constant 0 : i32
          %dma_wait3A_160 = tpu.memref_slice %arg10[%add3A_151, %dma_wait3A_159] : memref<25x80xi32, #tpu.memory_space<vmem>> -> memref<1x80xi32, #tpu.memory_space<vmem>>
          %dma_wait3A_161 = tpu.memref_squeeze %dma_wait3A_160 : memref<1x80xi32, #tpu.memory_space<vmem>> -> memref<80xi32, #tpu.memory_space<vmem>>
          %dma_wait3A_162 = arith.constant 0 : i32
          %dma_wait3A_163 = arith.constant 0 : i32
          %dma_wait3A_164 = tpu.memref_slice %arg13[%dma_wait3A_162, %dma_wait3A_163] : memref<10240x128xf32, #tpu.memory_space<vmem_shared>> -> memref<10240x128xf32, #tpu.memory_space<vmem_shared>>
          tpu.wait_indirect_dma semaphore(%run_scoped3A_152 : memref<!tpu.dma_semaphore, #tpu.memory_space<semaphore_mem>>) src(%arg12 : memref<80x128xf32, #tpu.memory_space<vmem>>) dst(%dma_wait3A_164 : memref<10240x128xf32, #tpu.memory_space<vmem_shared>>)
          tpu.yield
        }) : () -> ()
      }
      %scan3A_49 = arith.constant 12 : i32
      %dma_wait3A = arith.constant 24 : i32
      %dma_wait3A_50 = arith.constant 0 : i32
      %dma_wait3A_51 = arith.constant 0 : i32
      %dma_wait3A_52 = tpu.memref_slice %arg11[%dma_wait3A_50, %dma_wait3A_51] : memref<80x128xf32, #tpu.memory_space<vmem>> -> memref<40x128xf32, #tpu.memory_space<vmem>>
      %dma_wait3A_53 = arith.constant 0 : i32
      %dma_wait3A_54 = tpu.memref_slice %arg8[%dma_wait3A, %dma_wait3A_53] : memref<25x80xi32, #tpu.memory_space<vmem>> -> memref<1x40xi32, #tpu.memory_space<vmem>>
      %dma_wait3A_55 = tpu.memref_squeeze %dma_wait3A_54 : memref<1x40xi32, #tpu.memory_space<vmem>> -> memref<40xi32, #tpu.memory_space<vmem>>
      %dma_wait3A_56 = arith.constant 0 : i32
      %dma_wait3A_57 = arith.constant 0 : i32
      %dma_wait3A_58 = tpu.memref_slice %arg2[%dma_wait3A_56, %dma_wait3A_57] : memref<80000x128xf32, #tpu.memory_space<hbm>> -> memref<80000x128xf32, #tpu.memory_space<hbm>>
      tpu.wait_indirect_dma semaphore(%arg14 : memref<!tpu.dma_semaphore, #tpu.memory_space<semaphore_mem>>) src(%dma_wait3A_58 : memref<80000x128xf32, #tpu.memory_space<hbm>>) dst(%dma_wait3A_52 : memref<40x128xf32, #tpu.memory_space<vmem>>)
      %dma_wait3A_59 = arith.constant 24 : i32
      %dma_wait3A_60 = arith.constant 40 : i32
      %dma_wait3A_61 = arith.constant 0 : i32
      %dma_wait3A_62 = tpu.memref_slice %arg11[%dma_wait3A_60, %dma_wait3A_61] : memref<80x128xf32, #tpu.memory_space<vmem>> -> memref<40x128xf32, #tpu.memory_space<vmem>>
      %dma_wait3A_63 = arith.constant 40 : i32
      %dma_wait3A_64 = tpu.memref_slice %arg8[%dma_wait3A_59, %dma_wait3A_63] : memref<25x80xi32, #tpu.memory_space<vmem>> -> memref<1x40xi32, #tpu.memory_space<vmem>>
      %dma_wait3A_65 = tpu.memref_squeeze %dma_wait3A_64 : memref<1x40xi32, #tpu.memory_space<vmem>> -> memref<40xi32, #tpu.memory_space<vmem>>
      %dma_wait3A_66 = arith.constant 0 : i32
      %dma_wait3A_67 = arith.constant 0 : i32
      %dma_wait3A_68 = tpu.memref_slice %arg2[%dma_wait3A_66, %dma_wait3A_67] : memref<80000x128xf32, #tpu.memory_space<hbm>> -> memref<80000x128xf32, #tpu.memory_space<hbm>>
      tpu.wait_indirect_dma semaphore(%arg14 : memref<!tpu.dma_semaphore, #tpu.memory_space<semaphore_mem>>) src(%dma_wait3A_68 : memref<80000x128xf32, #tpu.memory_space<hbm>>) dst(%dma_wait3A_62 : memref<40x128xf32, #tpu.memory_space<vmem>>)
      %run_scoped3A = arith.constant 24 : i32
      "tpu.region"() ({
        %run_scoped3A_69 = tpu.sem_alloc : memref<!tpu.dma_semaphore, #tpu.memory_space<semaphore_mem>>
        %dma_start3A_70 = arith.constant 0 : i32
        %dma_start3A_71 = tpu.memref_slice %arg10[%run_scoped3A, %dma_start3A_70] : memref<25x80xi32, #tpu.memory_space<vmem>> -> memref<1x80xi32, #tpu.memory_space<vmem>>
        %dma_start3A_72 = tpu.memref_squeeze %dma_start3A_71 : memref<1x80xi32, #tpu.memory_space<vmem>> -> memref<80xi32, #tpu.memory_space<vmem>>
        %dma_start3A_73 = arith.constant 0 : i32
        %dma_start3A_74 = arith.constant 0 : i32
        %dma_start3A_75 = tpu.memref_slice %arg13[%dma_start3A_73, %dma_start3A_74] : memref<10240x128xf32, #tpu.memory_space<vmem_shared>> -> memref<10240x128xf32, #tpu.memory_space<vmem_shared>>
        tpu.enqueue_indirect_dma source(%arg11 : memref<80x128xf32, #tpu.memory_space<vmem>>) target(%dma_start3A_75 : memref<10240x128xf32, #tpu.memory_space<vmem_shared>>) offsets(%dma_start3A_72 : memref<80xi32, #tpu.memory_space<vmem>>) semaphore(%run_scoped3A_69 : memref<!tpu.dma_semaphore, #tpu.memory_space<semaphore_mem>>) {add = true}
        %dma_wait3A_76 = arith.constant 0 : i32
        %dma_wait3A_77 = tpu.memref_slice %arg10[%run_scoped3A, %dma_wait3A_76] : memref<25x80xi32, #tpu.memory_space<vmem>> -> memref<1x80xi32, #tpu.memory_space<vmem>>
        %dma_wait3A_78 = tpu.memref_squeeze %dma_wait3A_77 : memref<1x80xi32, #tpu.memory_space<vmem>> -> memref<80xi32, #tpu.memory_space<vmem>>
        %dma_wait3A_79 = arith.constant 0 : i32
        %dma_wait3A_80 = arith.constant 0 : i32
        %dma_wait3A_81 = tpu.memref_slice %arg13[%dma_wait3A_79, %dma_wait3A_80] : memref<10240x128xf32, #tpu.memory_space<vmem_shared>> -> memref<10240x128xf32, #tpu.memory_space<vmem_shared>>
        tpu.wait_indirect_dma semaphore(%run_scoped3A_69 : memref<!tpu.dma_semaphore, #tpu.memory_space<semaphore_mem>>) src(%arg11 : memref<80x128xf32, #tpu.memory_space<vmem>>) dst(%dma_wait3A_81 : memref<10240x128xf32, #tpu.memory_space<vmem_shared>>)
        tpu.yield
      }) : () -> ()
    }
    %scan3A_9 = arith.constant 5 : i32
    %barrier3A_10 = arith.constant 0 : index
    tpu.barrier barrier_id(%barrier3A_10)
    %mul3A_11 = arith.constant 640 : i32
    %mul3A_12 = arith.muli %arg1, %mul3A_11 : i32
    %mul3A_13 = arith.constant 10240 : i32
    %mul3A_14 = arith.muli %arg0, %mul3A_13 : i32
    %mul3A_15 = arith.constant 640 : i32
    %mul3A_16 = arith.muli %arg1, %mul3A_15 : i32
    %add3A_17 = arith.addi %mul3A_14, %mul3A_16 : i32
    "tpu.region"() ({
      %run_scoped3A = tpu.sem_alloc : memref<!tpu.dma_semaphore, #tpu.memory_space<semaphore_mem>>
      %dma_start3A = arith.constant 0 : i32
      %dma_start3A_18 = tpu.memref_slice %arg7[%add3A_17, %dma_start3A] : memref<20480x128xf32, #tpu.memory_space<hbm>> -> memref<640x128xf32, #tpu.memory_space<hbm>>
      %dma_start3A_19 = arith.constant 0 : i32
      %dma_start3A_20 = tpu.memref_slice %arg13[%mul3A_12, %dma_start3A_19] : memref<10240x128xf32, #tpu.memory_space<vmem_shared>> -> memref<640x128xf32, #tpu.memory_space<vmem_shared>>
      tpu.enqueue_dma source(%dma_start3A_20 : memref<640x128xf32, #tpu.memory_space<vmem_shared>>) target(%dma_start3A_18 : memref<640x128xf32, #tpu.memory_space<hbm>>) target_semaphore(%run_scoped3A : memref<!tpu.dma_semaphore, #tpu.memory_space<semaphore_mem>>)
      %dma_wait3A = arith.constant 0 : i32
      %dma_wait3A_21 = tpu.memref_slice %arg7[%add3A_17, %dma_wait3A] : memref<20480x128xf32, #tpu.memory_space<hbm>> -> memref<640x128xf32, #tpu.memory_space<hbm>>
      %dma_wait3A_22 = arith.constant 0 : i32
      %dma_wait3A_23 = tpu.memref_slice %arg13[%mul3A_12, %dma_wait3A_22] : memref<10240x128xf32, #tpu.memory_space<vmem_shared>> -> memref<640x128xf32, #tpu.memory_space<vmem_shared>>
      tpu.wait_dma2 semaphore(%run_scoped3A : memref<!tpu.dma_semaphore, #tpu.memory_space<semaphore_mem>>) src(%dma_wait3A_23 : memref<640x128xf32, #tpu.memory_space<vmem_shared>>) dst(%dma_wait3A_21 : memref<640x128xf32, #tpu.memory_space<hbm>>)
      tpu.yield
    }) : () -> ()
    return
  }
}

module attributes {stable_mosaic.version = 14 : i64} {
  func.func @_mm_body(%arg0: i32, %arg1: memref<400x128xf32, #tpu.memory_space<vmem>>, %arg2: memref<128x1024xf32, #tpu.memory_space<vmem>>, %arg3: memref<400x1024xf32, #tpu.memory_space<vmem>>) attributes {dimension_semantics = [#tpu.dimension_semantics<arbitrary>], iteration_bounds = array<i64: 25>, scalar_prefetch = 0 : i64, scratch_operands = 0 : i64, tpu.core_type = #tpu.core_type<tc>, window_params = [{transform_indices = @transform_0, window_bounds = array<i64: 400, 128>}, {pipeline_mode = #tpu.pipeline_mode<synchronous>, transform_indices = @transform_1, window_bounds = array<i64: 128, 1024>}, {transform_indices = @transform_2, window_bounds = array<i64: 400, 1024>}]} {
    %get3A = arith.constant 0 : index
    %get3A_0 = arith.constant 0 : index
    %get3A_1 = vector.load %arg1[%get3A, %get3A_0] : memref<400x128xf32, #tpu.memory_space<vmem>>, vector<400x128xf32>
    %get3A_2 = arith.constant 0 : index
    %get3A_3 = arith.constant 0 : index
    %get3A_4 = vector.load %arg2[%get3A_2, %get3A_3] : memref<128x1024xf32, #tpu.memory_space<vmem>>, vector<128x1024xf32>
    %dot_general3A = arith.constant dense<0.000000e+00> : vector<400x1024xf32>
    %dot_general3A_5 = tpu.matmul %get3A_1, %get3A_4, %dot_general3A {dimension_numbers = #tpu.dot_dimension_numbers<[1], [0], [0], [1], [0, 0, 1, 1], [], []>, transpose_lhs_hint = false} : vector<400x128xf32>, vector<128x1024xf32>, vector<400x1024xf32> -> vector<400x1024xf32>
    %swap3A = arith.constant 0 : index
    %swap3A_6 = arith.constant 0 : index
    %swap3A_7 = vector.load %arg3[%swap3A, %swap3A_6] : memref<400x1024xf32, #tpu.memory_space<vmem>>, vector<400x1024xf32>
    tpu.vector_store %arg3[%swap3A, %swap3A_6], %dot_general3A_5 {strides = array<i32>} : memref<400x1024xf32, #tpu.memory_space<vmem>>, vector<400x1024xf32>,
    return
  }
  func.func @transform_0(%arg0: i32) -> (i32, i32) {
    %c0_i32 = arith.constant 0 : i32
    %c0_i32_0 = arith.constant 0 : i32
    return %arg0, %c0_i32 : i32, i32
  }
  func.func @transform_1(%arg0: i32) -> (i32, i32) {
    %c0_i32 = arith.constant 0 : i32
    %c0_i32_0 = arith.constant 0 : i32
    %c0_i32_1 = arith.constant 0 : i32
    return %c0_i32, %c0_i32_0 : i32, i32
  }
  func.func @transform_2(%arg0: i32) -> (i32, i32) {
    %c0_i32 = arith.constant 0 : i32
    %c0_i32_0 = arith.constant 0 : i32
    return %arg0, %c0_i32 : i32, i32
  }
}

module attributes {stable_mosaic.version = 14 : i64} {
  func.func @_combine_body(%arg0: i32, %arg1: memref<1x400x128xf32, #tpu.memory_space<vmem>>, %arg2: memref<1x400x128xf32, #tpu.memory_space<vmem>>, %arg3: memref<1x128xf32, #tpu.memory_space<vmem>>, %arg4: memref<400x128xf32, #tpu.memory_space<vmem>>) attributes {dimension_semantics = [#tpu.dimension_semantics<arbitrary>], iteration_bounds = array<i64: 25>, scalar_prefetch = 0 : i64, scratch_operands = 0 : i64, tpu.core_type = #tpu.core_type<tc>, window_params = [{transform_indices = @transform_0, window_bounds = array<i64: 1, 400, 128>}, {transform_indices = @transform_1, window_bounds = array<i64: 1, 400, 128>}, {pipeline_mode = #tpu.pipeline_mode<synchronous>, transform_indices = @transform_2, window_bounds = array<i64: 1, 128>}, {transform_indices = @transform_3, window_bounds = array<i64: 400, 128>}]} {
    %get3A = arith.constant 0 : index
    %get3A_0 = arith.constant 0 : index
    %get3A_1 = arith.constant 0 : index
    %get3A_2 = vector.load %arg1[%get3A, %get3A_0, %get3A_1] : memref<1x400x128xf32, #tpu.memory_space<vmem>>, vector<1x400x128xf32>
    %get3A_3 = vector.shape_cast %get3A_2 : vector<1x400x128xf32> to vector<400x128xf32>
    %get3A_4 = arith.constant 0 : index
    %get3A_5 = arith.constant 0 : index
    %get3A_6 = arith.constant 0 : index
    %get3A_7 = vector.load %arg2[%get3A_4, %get3A_5, %get3A_6] : memref<1x400x128xf32, #tpu.memory_space<vmem>>, vector<1x400x128xf32>
    %get3A_8 = vector.shape_cast %get3A_7 : vector<1x400x128xf32> to vector<400x128xf32>
    %add3A = arith.addf %get3A_3, %get3A_8 : vector<400x128xf32>
    %get3A_9 = arith.constant 0 : index
    %get3A_10 = arith.constant 0 : index
    %get3A_11 = vector.load %arg3[%get3A_9, %get3A_10] : memref<1x128xf32, #tpu.memory_space<vmem>>, vector<1x128xf32>
    %add3A_12 = vector.broadcast %get3A_11 : vector<1x128xf32> to vector<400x128xf32>
    %add3A_13 = arith.addf %add3A, %add3A_12 : vector<400x128xf32>
    %swap3A = arith.constant 0 : index
    %swap3A_14 = arith.constant 0 : index
    %swap3A_15 = vector.load %arg4[%swap3A, %swap3A_14] : memref<400x128xf32, #tpu.memory_space<vmem>>, vector<400x128xf32>
    tpu.vector_store %arg4[%swap3A, %swap3A_14], %add3A_13 {strides = array<i32>} : memref<400x128xf32, #tpu.memory_space<vmem>>, vector<400x128xf32>,
    return
  }
  func.func @transform_0(%arg0: i32) -> (i32, i32, i32) {
    %c0_i32 = arith.constant 0 : i32
    %c0_i32_0 = arith.constant 0 : i32
    %c0_i32_1 = arith.constant 0 : i32
    return %c0_i32, %arg0, %c0_i32_0 : i32, i32, i32
  }
  func.func @transform_1(%arg0: i32) -> (i32, i32, i32) {
    %c1_i32 = arith.constant 1 : i32
    %c0_i32 = arith.constant 0 : i32
    %c0_i32_0 = arith.constant 0 : i32
    return %c1_i32, %arg0, %c0_i32 : i32, i32, i32
  }
  func.func @transform_2(%arg0: i32) -> (i32, i32) {
    %c0_i32 = arith.constant 0 : i32
    %c0_i32_0 = arith.constant 0 : i32
    %c0_i32_1 = arith.constant 0 : i32
    return %c0_i32, %c0_i32_0 : i32, i32
  }
  func.func @transform_3(%arg0: i32) -> (i32, i32) {
    %c0_i32 = arith.constant 0 : i32
    %c0_i32_0 = arith.constant 0 : i32
    return %arg0, %c0_i32 : i32, i32
  }
}

</mosaic_0001>

<sc_bundles>
// kernel: kernel.5.cloned.1.call-start
scs
__scs_entry_jumppad:
0x0: {  	(pc) =	sbr.rel $0x88, $3  }
0x1: {  	(tag) =	ssettag $0x0;
	lr =	simm.s32 $0x1  }
0x2: {  	[smem:$0x3F9C] =	sst lr;
	_ =	strace $0xD0000000  }
0x3: {  	_ = 	snop  }
0x4: {  	_ = 	snop  }
0x5: {  	_ = 	snop  }
0x6: {  	_ = 	snop  }
0x7: {  	_ = 	snop  }
__scs_overlays_trampoline_lowered:
0x8: {  	[smem:$0x3FAB] =	sst s0  }
0x9: {  	[smem:$0x3FAC] =	sst s1  }
0xa: {  	[smem:$0x3FAD] =	sst s2  }
0xb: {  	[smem:$0x3FAE] =	sst s3  }
0xc: {  	[smem:$0x3FAF] =	sst s4  }
0xd: {  	[smem:$0x3FB0] =	sst s5  }
0xe: {  	[smem:$0x3FB1] =	sst s6  }
0xf: {  	[smem:$0x3FB2] =	sst s7  }
0x10: {  	[smem:$0x3FB3] =	sst s8  }
0x11: {  	[smem:$0x3FB4] =	sst s9;
	s0 =	simm.s32 @!p0 $0x0  }
0x12: {  	s1 =	sld [smem:$0x3F9A];
	s0 =	simm.s32 @p0 $0x1  }
0x13: {  	[smem:$0x3FB5] =	sst s0;
	s0 =	simm.s32 @!p1 $0x0  }
0x14: {  	s2 =	sld [smem:$0x3F99];
	s0 =	simm.s32 @p1 $0x1  }
0x15: {  	[smem:$0x3FB6] =	sst s0;
	s0 =	simm.s32 @!p2 $0x0  }
0x16: {  	s3 =	sld [smem:$0x3FDB];
	s0 =	simm.s32 @p2 $0x1  }
0x17: {  	s4 =	simm.s32 $0x1BF5;
	[smem:$0x3FB8] =	sst s0  }
0x18: {  	s0 =	sld [smem:$0x3F9B];
	_ =	swait.ge [sflag:s4], $0x0  }
0x19: {  	s7 =	sld [smem:$0x3F9C]  }
0x1a: {  	s8 =	sadd.s32 $0xFFFFE003, lr  }
0x1b: {  	s9 =	sadd.s32 $0xFFFFFEF7, lr;
	s5 =	simm.s32 $0xFFFFFFFF;
	p2 =	slt.u32 s8, $0xFFFFF086  }
0x1c: {  	p1 =	slt.u32 s9, $0xF7A;
	s5 =	simm.s32 @!p2 $0x0  }
0x1d: {  	s5 =	simm.s32 @p1 $0x1;
	p0 =	seq.s32 s7, s2  }
0x1e: {  	s7 =	smul.u32 @!p0 $0xF7A, s2;
	p2 =	seq.s32 @!p0 s5, $0x0  }
0x1f: {  	s9 =	smul.u32 $0xF7A, s1;
	s8 =	simm.s32 @!p0 $0x1BF5;
	p2 =	por !p2, p0  }
0x20: {  	[sflag:s8] =	ssyncset.s32 @!p0 $0xFFFFF086;
	s6 =	sadd.s32 @!p0 s3, s7;
	s7 =	simm.s32 @!p0 $0x108  }
0x21: {  	s3 =	sadd.s32 s3, s9;
	s6 =	sadd.s32 @!p0 $0x88, s6;
	s7 =	simm.s32 @p2 $0x1082  }
0x22: {  	[simem:s7], [sflag:s8] =	dma.local @!p0 [hbm:s6], $0xF7A  }
0x23: {  	s9 =	sor.u32 $0xD0000000, s2;
	s6 =	simm.s32 $0x108;
	_ =	swait.ge @!p0 [sflag:s8], $0x0  }
0x24: {  	s3 =	sadd.s32 $0x88, s3;
	s6 =	simm.s32 @!p1 $0x1082;
	[sflag:s4] =	ssyncset.s32 $0xFFFFF086  }
0x25: {  	[simem:s6], [sflag:s4] =	dma.local [hbm:s3], $0xF7A  }
0x26: {  	[smem:$0x3F9C] =	sst s1;
	(tag) =	ssettag s2;
	_ =	strace s9  }
0x27: {  	s1 =	sld [smem:$0x3FAC]  }
0x28: {  	s2 =	sld [smem:$0x3FAD]  }
0x29: {  	s4 =	sld [smem:$0x3FAF]  }
0x2a: {  	p0 =	seq.s32 s5, $0x0;
	s5 =	sld [smem:$0x3FB0]  }
0x2b: {  	s6 =	sld [smem:$0x3FB1]  }
0x2c: {  	s7 =	sld [smem:$0x3FB2]  }
0x2d: {  	s3 =	simm.s32 $0x108;
	s8 =	sld [smem:$0x3FB3]  }
0x2e: {  	s3 =	simm.s32 @!p0 $0x1082;
	s9 =	sld [smem:$0x3FB4]  }
0x2f: {  	lr =	sadd.s32 s0, s3;
	s0 =	sld [smem:$0x3FAB]  }
0x30: {  	s3 =	sld [smem:$0x3FAE]  }
0x31: {  	[smem:$0x3FB7] =	sst s10  }
0x32: {  	s10 =	sld [smem:$0x3FB5];
	_ =	sdelay $0x3  }
0x33: {  	p0 =	seq.s32 s10, $0x1;
	s10 =	sld [smem:$0x3FB7];
	_ =	sdelay $0x3  }
0x34: {  	[smem:$0x3FB7] =	sst s10  }
0x35: {  	s10 =	sld [smem:$0x3FB6];
	_ =	sdelay $0x3  }
0x36: {  	p1 =	seq.s32 s10, $0x1;
	s10 =	sld [smem:$0x3FB7];
	_ =	sdelay $0x3  }
0x37: {  	[smem:$0x3FB7] =	sst s10  }
0x38: {  	s10 =	sld [smem:$0x3FB8]  }
0x39: {  	_ = 	snop;
	(pc) =	sbr.ind lr, $3  }
0x3a: {  	_ = 	snop  }
0x3b: {  	_ = 	snop  }
0x3c: {  	p2 =	seq.s32 s10, $0x1;
	s10 =	sld [smem:$0x3FB7]  }
0x3d: {  	_ =	shalt  }
0x3e: {  	_ =	shalt  }
0x3f: {  	_ =	shalt  }
0x40: {  	_ =	shalt  }
0x41: {  	_ =	shalt  }
0x42: {  	_ =	shalt  }
0x43: {  	_ =	shalt  }
0x44: {  	_ =	shalt  }
0x45: {  	_ =	shalt  }
0x46: {  	_ =	shalt  }
0x47: {  	_ =	shalt  }
0x48: {  	_ =	shalt  }
0x49: {  	_ =	shalt  }
0x4a: {  	_ =	shalt  }
0x4b: {  	_ =	shalt  }
0x4c: {  	_ =	shalt  }
0x4d: {  	_ =	shalt  }
0x4e: {  	_ =	shalt  }
0x4f: {  	_ =	shalt  }
0x50: {  	_ =	shalt  }
0x51: {  	_ =	shalt  }
0x52: {  	_ =	shalt  }
0x53: {  	_ =	shalt  }
0x54: {  	_ =	shalt  }
0x55: {  	_ =	shalt  }
0x56: {  	_ =	shalt  }
0x57: {  	_ =	shalt  }
0x58: {  	_ =	shalt  }
0x59: {  	_ =	shalt  }
0x5a: {  	_ =	shalt  }
0x5b: {  	_ =	shalt  }
0x5c: {  	_ =	shalt  }
0x5d: {  	_ =	shalt  }
0x5e: {  	_ =	shalt  }
0x5f: {  	_ =	shalt  }
0x60: {  	_ =	shalt  }
0x61: {  	_ =	shalt  }
0x62: {  	_ =	shalt  }
0x63: {  	_ =	shalt  }
0x64: {  	_ =	shalt  }
0x65: {  	_ =	shalt  }
0x66: {  	_ =	shalt  }
0x67: {  	_ =	shalt  }
0x68: {  	_ =	shalt  }
0x69: {  	_ =	shalt  }
0x6a: {  	_ =	shalt  }
0x6b: {  	_ =	shalt  }
0x6c: {  	_ =	shalt  }
0x6d: {  	_ =	shalt  }
0x6e: {  	_ =	shalt  }
0x6f: {  	_ =	shalt  }
0x70: {  	_ =	shalt  }
0x71: {  	_ =	shalt  }
0x72: {  	_ =	shalt  }
0x73: {  	_ =	shalt  }
0x74: {  	_ =	shalt  }
0x75: {  	_ =	shalt  }
0x76: {  	_ =	shalt  }
0x77: {  	_ =	shalt  }
0x78: {  	_ =	shalt  }
0x79: {  	_ =	shalt  }
0x7a: {  	_ =	shalt  }
0x7b: {  	_ =	shalt  }
0x7c: {  	_ =	shalt  }
0x7d: {  	_ =	shalt  }
0x7e: {  	_ =	shalt  }
0x7f: {  	_ =	shalt  }
0x80: {  	_ =	shalt  }
0x81: {  	_ =	shalt  }
0x82: {  	_ =	shalt  }
0x83: {  	_ =	shalt  }
0x84: {  	_ =	shalt  }
0x85: {  	_ =	shalt  }
0x86: {  	_ =	shalt  }
0x87: {  	_ =	shalt  }
.Lfunc_end0:
.L_simem_size_0:
called_computation_lowered:
.L_overlay_start_0:
0x88: {  	s2 =	sld [smem:$0x3FD9]  }
0x89: {  	s3 =	sld [smem:$0x3FFE];
	_ =	sdelay $0x1  }
0x8a: {  	s1 =	srdreg.scid  }
0x8b: {  	s0 =	sand.u32 $0x1, s1  }
0x8c: {  	s17 =	sshll.u32 s0, $0xA;
	s2 =	sadd.s32 s3, s2  }
0x8d: {  	s2 =	sadd.s32 s2, s17  }
0x8e: {  	[smem:$0x3FC3] =	sst s2  }
0x8f: {  	_ = 	snop  }
0x90: {  	s2 =	sld [smem:$0x3FD0];
	(tm) =	ssettm $0x1  }
0x91: {  	s18 =	sld [smem:$0x3FFB];
	_ =	sdelay $0x3  }
0x92: {  	_ =	strace s18  }
0x93: {  	s3 =	sld [smem:$0x3FFC];
	_ =	sdelay $0x3  }
0x94: {  	_ =	strace s3  }
0x95: {  	s3 =	sld [smem:$0x3FFD];
	_ =	sdelay $0x3  }
0x96: {  	_ =	strace s3  }
0x97: {  	_ =	strace $0x8FFFFFFF  }
0x98: {  	s19 =	sld [smem:$0x3FDB];
	_ =	sdelay $0x1  }
0x99: {  	s4 =	simm.s32 $_scs_section_size  }
0x9a: {  	s5 =	simm.s32 $_size__tile_overlayer_lowered;
	s6 =	simm.s32 $_tile_overlayer_lowered  }
0x9b: {  	s22 =	simm.s32 $0x1BFF;
	s21 =	sshll.u32 s6, $0x1;
	s3 =	sadd.s32 s4, s19  }
0x9c: {  	s7 =	simm.s32 $0x0;
	s20 =	sshll.u32 s5, $0x1;
	s5 =	sadd.s32 s21, s3  }
0x9d: {  	[timem:s7], [sflag:s22] =	dma.local [hbm:s5], s20  }
0x9e: {  	_ =	swait.ge [sflag:s22], s20  }
0x9f: {  	s4 =	ssub.s32 $0x0, s20;
	[sflag:s22] =	ssyncset.done $0x0  }
0xa0: {  	[sflag:s22] =	ssyncadd.s32 s4;
	_ =	sdelay $0x1  }
0xa1: {  	s23 =	simm.s32 $0x1B8B  }
0xa2: {  	_ =	swait.ge [sflag:s23], $0x1  }
0xa3: {  	[sflag:s23] =	ssyncset.done $0x0  }
0xa4: {  	s25 =	simm.s32 $0x1B8E;
	s24 =	sld [smem:$0x3FFE];
	[sflag:s23] =	ssyncadd.s32 $0xFFFFFFFF  }
0xa5: {  	s26 =	simm.s32 $execute0_lowered;
	[smem:$0x3FD2] =	sst s25  }
0xa6: {  	s5 =	sshll.u32 s26, $0x1;
	_ =	strace $0x80000046;
	[dreg:$0x1] =	wrdreg $0xFFFFFFFF  }
0xa7: {  	s28 =	simm.s32 $_size_execute0_lowered;
	s3 =	sadd.s32 s3, s5;
	[dreg:$0x0] =	wrdreg $0x0  }
0xa8: {  	s5 =	sshll.u32 s28, $0x1;
	[dreg:$0x2] =	wrdreg s3  }
0xa9: {  	[dreg:$0x3] =	wrdreg s5  }
0xaa: {  	[dreg:$0x4] =	wrdreg $0xC0  }
0xab: {  	_ =	task [dreg:s7], $0x5FFFF  }
0xac: {  	[dreg:$0x1] =	wrdreg $0xFFFFFFFF  }
0xad: {  	[dreg:$0x0] =	wrdreg $0x60  }
0xae: {  	[dreg:$0x2] =	wrdreg s24  }
0xaf: {  	[dreg:$0x3] =	wrdreg s2  }
0xb0: {  	[dreg:$0x4] =	wrdreg $0x80000  }
0xb1: {  	[dreg:$0x5] =	wrdreg $0x9  }
0xb2: {  	_ =	task.clear_ibuf [dreg:s7], $0x6FFFF;
	_ =	strace $0x90000046  }
0xb3: {  	s29 =	simm.s32 $0x9;
	_ =	strace $0x80000048  }
0xb4: {  	_ =	swait.ge [sflag:s29], $0x1  }
0xb5: {  	[sflag:s29] =	ssyncadd.s32 $0xFFFFFFFF  }
0xb6: {  	_ =	strace $0x90000048  }
0xb7: {  	_ =	sfence  }
0xb8: {  	s30 =	sld [smem:$0x0];
	_ =	sdelay $0x2  }
0xb9: {  	s31 =	sshll.u32 s1, $0xD;
	s1 =	sshrl.u32 s1, $0x2  }
0xba: {  	s3 =	sand.u32 $0x4000, s31;
	s1 =	sadd.s32 s1, s30  }
0xbb: {  	s0 =	sor.u32 s3, s0;
	s1 =	sshll.u32 s1, $0x11  }
0xbc: {  	s0 =	sor.u32 s1, s0  }
0xbd: {  	s0 =	sadd.s32 $0x8F2B, s0  }
0xbe: {  	[sflag:s0] =	ssyncadd.remote.s32 $0x1  }
0xbf: {  	_ =	sfence.sel $0xFFFF  }
0xc0: {  	[dreg:$0x0] =	wrdreg $0xFFFFFFFF;
	(pc) =	sbr.abs _section_cstart, $3  }
0xc1: {  	[dreg:$0x1] =	wrdreg $0xFFFFFFFF  }
0xc2: {  	_ =	task.clear_ibuf [dreg:s7], $0x2FFFF;
	_ =	strace $0x9FFFFFFF  }
0xc3: {  	(tm) =	ssettm $0x7FFFFFFF  }
tec
execute0_lowered:
.L_overlay_start_1:
0x0: {  	(tag) =	ssettag $0x1  }
0x1: {  	s8 =	rddreg [dreg:$0x0]  }
0x2: {  	s2 =	rddreg [dreg:$0x1]  }
0x3: {  	s3 =	rddreg [dreg:$0x2];
	s4 =	simm.s32 $0x0;
	s1 =	stileid.u32  }
0x4: {  	s5 =	srdreg.scid;
	s15 =	simm.s32 $0x1000;
	s16 =	simm.s32 $0x2000  }
0x5: {  	s17 =	simm.s32 $0x28;
	s18 =	simm.s32 $0x3000;
	s19 =	simm.s32 $0x4400  }
0x6: {  	s20 =	simm.s32 $0x5800;
	s21 =	simm.s32 $0x6C00;
	s22 =	simm.s32 $0x1  }
0x7: {  	s23 =	simm.s32 $0x50;
	s24 =	simm.s32 $0x2;
	s25 =	simm.s32 $0x2C00  }
0x8: {  	[smem:$0x7FF] =	sst s4;
	s7 =	smul.u32 $0x2800, s1;
	s9 =	sand.u32 $0x1, s5  }
0x9: {  	s5 =	sadd.s32 $0x139200, s8;
	s6 =	sadd.s32 $0xA00, s8;
	s13 =	smul.u32 $0x50000, s1  }
0xa: {  	s31 =	sshll.u32 s1, $0x6;
	_ =	strace $0x80000047;
	s10 =	smul.u32 $0x28000, s9  }
0xb: {  	s12 =	ssub.s32 $0x2, s9;
	s28 =	sshll.u32 s9, $0x4;
	s9 =	sor.u32 $0x1C03, s31  }
0xc: {  	s11 =	sadd.s32 s7, s8;
	s26 =	sshrl.u32 s12, $0x1;
	s29 =	sshrl.u32 s13, $0x2  }
0xd: {  	s30 =	sor.u32 s1, s28;
	s10 =	sadd.s32 s7, s10;
	s7 =	sadd.s32 $0x14A00, s8  }
0xe: {  	s12 =	ssub.s32 s12, s26;
	s13 =	sadd.s32 s29, s3;
	s14 =	sadd.s32 s10, s8  }
0xf: {  	s8 =	sadd.s32 $0x28A00, s11;
	s10 =	smul.u32 $0x5000, s30;
	s12 =	smax.u32 s12, $0x1  }
0x10: {  	s13 =	sshrl.u32 s13, $0x3;
	s11 =	sadd.s32 $0x50A00, s14;
	s14 =	simm.s32 $0x3  }
.LBB2_1:
0x11: {  	[spmem:s13], [sflag:s9] =	dma.local [hbm:s8], $0x2800  }
0x12: {  	_ =	swait.ge [sflag:s14], $0x2800  }
0x13: {  	[sflag:s14] =	ssyncset.done $0x0  }
0x14: {  	[sflag:s14] =	ssyncadd.s32 $0xFFFFD800  }
0x15: {  	s26 =	simm.s32 $0x0;
	[bflag:$0x0] =	sbarrier.arrive $0xFFFF  }
.LBB2_2:
0x16: {  	s28 =	sshll.u32 s26, $0xC  }
0x17: {  	s28 =	sadd.s32 s10, s28  }
0x18: {  	s28 =	sshrl.u32 s28, $0x3  }
0x19: {  	s30 =	simm.s32 $0x0;
	s29 =	sadd.s32 s2, s28  }
0x1a: {  	[tilespmem:s30], [sflag:$0x3] =	stream.linear.gather [hbm4b:s29+s30], $0xC80, $0x38;
	[tilespmem:$0x1C000] =	vst v63  }
0x1b: {  	_ =	swait.ge [sflag:s14], $0xC80  }
0x1c: {  	[sflag:s14] =	ssyncset.done $0x0  }
0x1d: {  	s29 =	sadd.s32 s6, s28;
	[sflag:s14] =	ssyncadd.s32 $0xFFFFF380  }
0x1e: {  	[tilespmem:s15], [sflag:$0x3] =	stream.linear.gather [hbm4b:s29+s30], $0xC80, $0x38;
	[tilespmem:$0x1C000] =	vst v63  }
0x1f: {  	_ =	swait.ge [sflag:s14], $0xC80  }
0x20: {  	[sflag:s14] =	ssyncset.done $0x0  }
0x21: {  	s28 =	sadd.s32 s7, s28;
	[sflag:s14] =	ssyncadd.s32 $0xFFFFF380  }
0x22: {  	[tilespmem:s16], [sflag:$0x3] =	stream.linear.gather [hbm4b:s28+s30], $0xC80, $0x38;
	[tilespmem:$0x1C000] =	vst v63  }
0x23: {  	_ =	swait.ge [sflag:s14], $0xC80  }
0x24: {  	[sflag:s14] =	ssyncset.done $0x0  }
0x25: {  	s28 =	simm.s32 $0x0;
	[sflag:s14] =	ssyncadd.s32 $0xFFFFF380  }
0x26: {  	v3 =	vld [tilespmem:s28+$0x1000]  }
0x27: {  	v2 =	vld [tilespmem:s28+$0x1010]  }
0x28: {  	v1 =	vld [tilespmem:s28+$0x1020]  }
0x29: {  	v0 =	vld [tilespmem:s28+$0x1030]  }
0x2a: {  	v7 =	vld [tilespmem:s28+$0x0]  }
0x2b: {  	v6 =	vld [tilespmem:s28+$0x10]  }
0x2c: {  	v5 =	vld [tilespmem:s28+$0x20]  }
0x2d: {  	s29 =	simm.s32 $0x200;
	v4 =	vld [tilespmem:s28+$0x30]  }
.LBB2_3:
0x2e: {  	p0 =	sne.s32 s29, $0x3000;
	v8 =	vld [tilespmem:s28+$0x40]  }
0x2f: {  	s30 =	sshra.s32 s29, $0x2;
	v7 =	vshll.u32 v7, $0x3;
	v9 =	vld [tilespmem:s28+$0x1040]  }
0x30: {  	v7 =	vadd.s32 v3, v7;
	v3 =	vld [tilespmem:s30+$0x1000];
	v6 =	vshll.u32 v6, $0x3  }
0x31: {  	[tilespmem:s28+$0x0] =	vst v7;
	v6 =	vadd.s32 v2, v6;
	v2 =	vld [tilespmem:s30+$0x1010];
	v5 =	vshll.u32 v5, $0x3  }
0x32: {  	[tilespmem:s28+$0x10] =	vst v6;
	v5 =	vadd.s32 v1, v5;
	v1 =	vld [tilespmem:s30+$0x1020];
	v4 =	vshll.u32 v4, $0x3  }
.Ltmp0:
0x33: {  	[tilespmem:s28+$0x20] =	vst v5;
	v4 =	vadd.s32 v0, v4;
	v0 =	vld [tilespmem:s30+$0x1030];
	v5 =	vshll.u32 v8, $0x3;
	(pc) =	sbr.rel @p0 .LBB2_3-.Ltmp0, $4  }
0x34: {  	v7 =	vld [tilespmem:s30+$0x0];
	[tilespmem:s28+$0x30] =	vst v4;
	v4 =	vadd.s32 v9, v5  }
0x35: {  	v6 =	vld [tilespmem:s30+$0x10];
	[tilespmem:s28+$0x40] =	vst v4;
	s28 =	smov.u32 s30  }
0x36: {  	v5 =	vld [tilespmem:s28+$0x20]  }
0x37: {  	s29 =	sadd.s32 $0x200, s29;
	v4 =	vld [tilespmem:s28+$0x30]  }
0x38: {  	v8 =	vld [tilespmem:s28+$0x40]  }
0x39: {  	v9 =	vld [tilespmem:s28+$0x1040];
	v7 =	vshll.u32 v7, $0x3  }
0x3a: {  	v3 =	vadd.s32 v3, v7;
	v6 =	vshll.u32 v6, $0x3  }
0x3b: {  	[tilespmem:s28+$0x0] =	vst v3;
	v2 =	vadd.s32 v2, v6;
	v60 =	vshll.u32 v5, $0x3  }
0x3c: {  	[tilespmem:s28+$0x10] =	vst v2;
	v1 =	vadd.s32 v1, v60;
	v61 =	vshll.u32 v4, $0x3  }
0x3d: {  	[tilespmem:s28+$0x20] =	vst v1;
	v0 =	vadd.s32 v0, v61;
	v62 =	vshll.u32 v8, $0x3  }
0x3e: {  	[tilespmem:s28+$0x30] =	vst v0;
	v63 =	vadd.s32 v9, v62  }
0x3f: {  	[tilespmem:s28+$0x40] =	vst v63;
	s28 =	simm.s32 $0x0  }
0x40: {  	[tilespmem:s18], [sflag:$0x1] =	stream.indirect.gather [hbm4b:s5+s17], $0x80, s28, s17, $0xb8;
	[tilespmem:$0x1C000] =	vst v63  }
0x41: {  	_ = 	snop  }
0x42: {  	[tilespmem:s19], [sflag:$0x1] =	stream.indirect.gather [hbm4b:s5+s17], $0x80, s17, s17, $0xb8;
	[tilespmem:$0x1C000] =	vst v63  }
0x43: {  	s28 =	simm.s32 $0x80  }
0x44: {  	[tilespmem:s20], [sflag:$0x2] =	stream.indirect.gather [hbm4b:s5+s17], $0x80, s28, s17, $0xb8;
	[tilespmem:$0x1C000] =	vst v63  }
0x45: {  	s28 =	simm.s32 $0xA8  }
0x46: {  	[tilespmem:s21], [sflag:$0x2] =	stream.indirect.gather [hbm4b:s5+s17], $0x80, s28, s17, $0xb8;
	[tilespmem:$0x1C000] =	vst v63  }
0x47: {  	_ =	swait.ge [sflag:s22], $0x1400  }
0x48: {  	[sflag:s22] =	ssyncset.done $0x0  }
0x49: {  	[sflag:s22] =	ssyncadd.s32 $0xFFFFEC00  }
0x4a: {  	_ =	swait.ge [sflag:s22], $0x1400  }
0x4b: {  	[sflag:s22] =	ssyncset.done $0x0  }
0x4c: {  	s28 =	simm.s32 $0x2000;
	[sflag:s22] =	ssyncadd.s32 $0xFFFFEC00  }
0x4d: {  	[spmem:s3] =	stream.indirect.scatter.add.f32 [tilespmem:s18], [sflag:$0x3], $0x80, s28, s23, $0xb8;
	[tilespmem:$0x1C000] =	vst v63  }
0x4e: {  	_ =	swait.ge [sflag:s14], $0x2800  }
0x4f: {  	[sflag:s14] =	ssyncset.done $0x0  }
0x50: {  	s28 =	simm.s32 $0x100;
	[sflag:s14] =	ssyncadd.s32 $0xFFFFD800  }
0x51: {  	[tilespmem:s18], [sflag:$0x1] =	stream.indirect.gather [hbm4b:s5+s17], $0x80, s28, s17, $0xb8;
	[tilespmem:$0x1C000] =	vst v63  }
0x52: {  	s28 =	simm.s32 $0x128  }
0x53: {  	[tilespmem:s19], [sflag:$0x1] =	stream.indirect.gather [hbm4b:s5+s17], $0x80, s28, s17, $0xb8;
	[tilespmem:$0x1C000] =	vst v63  }
0x54: {  	_ =	swait.ge [sflag:s24], $0x1400  }
0x55: {  	[sflag:s24] =	ssyncset.done $0x0  }
0x56: {  	[sflag:s24] =	ssyncadd.s32 $0xFFFFEC00  }
0x57: {  	_ =	swait.ge [sflag:s24], $0x1400  }
0x58: {  	[sflag:s24] =	ssyncset.done $0x0  }
0x59: {  	s28 =	simm.s32 $0x2080;
	[sflag:s24] =	ssyncadd.s32 $0xFFFFEC00  }
0x5a: {  	[spmem:s3] =	stream.indirect.scatter.add.f32 [tilespmem:s20], [sflag:$0x3], $0x80, s28, s23, $0xb8;
	[tilespmem:$0x1C000] =	vst v63  }
0x5b: {  	_ =	swait.ge [sflag:s14], $0x2800  }
0x5c: {  	s29 =	simm.s32 $0x800;
	s28 =	simm.s32 $0x100;
	[sflag:s14] =	ssyncset.done $0x0  }
.LBB2_5:
0x5d: {  	s30 =	sadd.s32 $0x80, s28  }
0x5e: {  	[sflag:s14] =	ssyncadd.s32 $0xFFFFD800;
	s31 =	smov.u32 s29;
	s0 =	sadd.s32 $0x400, s29  }
0x5f: {  	[tilespmem:s20], [sflag:$0x2] =	stream.indirect.gather [hbm4b:s5+s17], $0x80, s30, s17, $0xb8;
	[tilespmem:$0x1C000] =	vst v63  }
0x60: {  	p0 =	sne.s32 s29, $0x2C00;
	s29 =	sadd.s32 $0xA8, s28  }
0x61: {  	[tilespmem:s21], [sflag:$0x2] =	stream.indirect.gather [hbm4b:s5+s17], $0x80, s29, s17, $0xb8;
	[tilespmem:$0x1C000] =	vst v63  }
0x62: {  	_ =	swait.ge [sflag:s22], $0x1400  }
0x63: {  	[sflag:s22] =	ssyncset.done $0x0  }
0x64: {  	[sflag:s22] =	ssyncadd.s32 $0xFFFFEC00  }
0x65: {  	_ =	swait.ge [sflag:s22], $0x1400  }
0x66: {  	[sflag:s22] =	ssyncset.done $0x0  }
0x67: {  	s29 =	sadd.s32 $0x2000, s28;
	[sflag:s22] =	ssyncadd.s32 $0xFFFFEC00  }
0x68: {  	[spmem:s3] =	stream.indirect.scatter.add.f32 [tilespmem:s18], [sflag:$0x3], $0x80, s29, s23, $0xb8;
	[tilespmem:$0x1C000] =	vst v63  }
0x69: {  	_ =	swait.ge [sflag:s14], $0x2800  }
0x6a: {  	[sflag:s14] =	ssyncset.done $0x0  }
0x6b: {  	s29 =	sadd.s32 $0x100, s28;
	[sflag:s14] =	ssyncadd.s32 $0xFFFFD800  }
0x6c: {  	[tilespmem:s18], [sflag:$0x1] =	stream.indirect.gather [hbm4b:s5+s17], $0x80, s29, s17, $0xb8;
	[tilespmem:$0x1C000] =	vst v63  }
0x6d: {  	s29 =	sadd.s32 $0x128, s28  }
0x6e: {  	[tilespmem:s19], [sflag:$0x1] =	stream.indirect.gather [hbm4b:s5+s17], $0x80, s29, s17, $0xb8;
	[tilespmem:$0x1C000] =	vst v63  }
0x6f: {  	_ =	swait.ge [sflag:s24], $0x1400  }
0x70: {  	[sflag:s24] =	ssyncset.done $0x0  }
0x71: {  	[sflag:s24] =	ssyncadd.s32 $0xFFFFEC00  }
0x72: {  	_ =	swait.ge [sflag:s24], $0x1400  }
.Ltmp1:
0x73: {  	[sflag:s24] =	ssyncset.done $0x0;
	(pc) =	sbr.rel @p0 .LBB2_5-.Ltmp1, $4  }
0x74: {  	s28 =	sadd.s32 $0x2080, s28;
	[sflag:s24] =	ssyncadd.s32 $0xFFFFEC00  }
0x75: {  	[spmem:s3] =	stream.indirect.scatter.add.f32 [tilespmem:s20], [sflag:$0x3], $0x80, s28, s23, $0xb8;
	[tilespmem:$0x1C000] =	vst v63  }
0x76: {  	_ =	swait.ge [sflag:s14], $0x2800  }
0x77: {  	s29 =	smov.u32 s0;
	s28 =	sshra.s32 s31, $0x2;
	[sflag:s14] =	ssyncset.done $0x0  }
0x78: {  	s0 =	sadd.s32 $0x80, s28;
	[sflag:s14] =	ssyncadd.s32 $0xFFFFD800  }
0x79: {  	[tilespmem:s20], [sflag:$0x2] =	stream.indirect.gather [hbm4b:s5+s17], $0x80, s0, s17, $0xb8;
	[tilespmem:$0x1C000] =	vst v63  }
0x7a: {  	s30 =	sadd.s32 $0xA8, s28  }
0x7b: {  	[tilespmem:s21], [sflag:$0x2] =	stream.indirect.gather [hbm4b:s5+s17], $0x80, s30, s17, $0xb8;
	[tilespmem:$0x1C000] =	vst v63  }
0x7c: {  	_ =	swait.ge [sflag:s22], $0x1400  }
0x7d: {  	[sflag:s22] =	ssyncset.done $0x0  }
0x7e: {  	[sflag:s22] =	ssyncadd.s32 $0xFFFFEC00  }
0x7f: {  	_ =	swait.ge [sflag:s22], $0x1400  }
0x80: {  	[sflag:s22] =	ssyncset.done $0x0  }
0x81: {  	s31 =	sadd.s32 $0x2000, s28;
	[sflag:s22] =	ssyncadd.s32 $0xFFFFEC00  }
0x82: {  	[spmem:s3] =	stream.indirect.scatter.add.f32 [tilespmem:s18], [sflag:$0x3], $0x80, s31, s23, $0xb8;
	[tilespmem:$0x1C000] =	vst v63  }
0x83: {  	_ =	swait.ge [sflag:s14], $0x2800  }
0x84: {  	[sflag:s14] =	ssyncset.done $0x0  }
0x85: {  	s29 =	sadd.s32 $0x100, s28;
	[sflag:s14] =	ssyncadd.s32 $0xFFFFD800  }
0x86: {  	[tilespmem:s18], [sflag:$0x1] =	stream.indirect.gather [hbm4b:s5+s17], $0x80, s29, s17, $0xb8;
	[tilespmem:$0x1C000] =	vst v63  }
0x87: {  	s30 =	sadd.s32 $0x128, s28  }
0x88: {  	[tilespmem:s19], [sflag:$0x1] =	stream.indirect.gather [hbm4b:s5+s17], $0x80, s30, s17, $0xb8;
	[tilespmem:$0x1C000] =	vst v63  }
0x89: {  	_ =	swait.ge [sflag:s24], $0x1400  }
0x8a: {  	[sflag:s24] =	ssyncset.done $0x0  }
0x8b: {  	[sflag:s24] =	ssyncadd.s32 $0xFFFFEC00  }
0x8c: {  	_ =	swait.ge [sflag:s24], $0x1400  }
0x8d: {  	[sflag:s24] =	ssyncset.done $0x0  }
0x8e: {  	s31 =	sadd.s32 $0x2080, s28;
	[sflag:s24] =	ssyncadd.s32 $0xFFFFEC00  }
0x8f: {  	[spmem:s3] =	stream.indirect.scatter.add.f32 [tilespmem:s20], [sflag:$0x3], $0x80, s31, s23, $0xb8;
	[tilespmem:$0x1C000] =	vst v63  }
0x90: {  	_ =	swait.ge [sflag:s14], $0x2800  }
0x91: {  	[sflag:s14] =	ssyncset.done $0x0  }
0x92: {  	[sflag:s14] =	ssyncadd.s32 $0xFFFFD800  }
0x93: {  	_ =	swait.ge [sflag:s22], $0x1400  }
0x94: {  	[sflag:s22] =	ssyncset.done $0x0  }
0x95: {  	[sflag:s22] =	ssyncadd.s32 $0xFFFFEC00  }
0x96: {  	s26 =	sadd.s32 $0x1, s26;
	_ =	swait.ge [sflag:s22], $0x1400  }
0x97: {  	p0 =	sne.s32 s26, $0x5;
	[sflag:s22] =	ssyncset.done $0x0  }
.Ltmp2:
0x98: {  	[sflag:s22] =	ssyncadd.s32 $0xFFFFEC00;
	(pc) =	sbr.rel @p0 .LBB2_2-.Ltmp2, $4  }
0x99: {  	[spmem:s3] =	stream.indirect.scatter.add.f32 [tilespmem:s18], [sflag:$0x3], $0x80, s25, s23, $0xb8;
	[tilespmem:$0x1C000] =	vst v63  }
0x9a: {  	_ =	swait.ge [sflag:s14], $0x2800  }
0x9b: {  	[sflag:s14] =	ssyncset.done $0x0  }
0x9c: {  	[sflag:s14] =	ssyncadd.s32 $0xFFFFD800  }
0x9d: {  	s4 =	sadd.s32 $0x1, s4  }
0x9e: {  	p0 =	sne.s32 s4, s12  }
.Ltmp3:
0x9f: {  	[bflag:$0x0] =	sbarrier.arrive $0xFFFF;
	(pc) =	sbr.rel @p0 .LBB2_1-.Ltmp3, $4  }
0xa0: {  	[hbm:s11], [sflag:s9] =	dma.local [spmem:s13], $0x2800  }
0xa1: {  	_ =	swait.ge [sflag:s14], $0x2800  }
0xa2: {  	[sflag:s14] =	ssyncset.done $0x0  }
0xa3: {  	[sflag:s14] =	ssyncadd.s32 $0xFFFFD800  }
0xa4: {  	_ =	sfence.sel $0x180000  }
0xa5: {  	[bflag:$0x0] =	sbarrier.arrive $0xFFFF  }
0xa6: {  	_ =	strace $0x90000047  }
0xa7: {  	[bflag:$0x2] =	sbarrier.arrive $0xFFFF  }
0xa8: {  	p0 =	sne.s32 s1, $0x0;
	s0 =	rddreg [dreg:$0x3]  }
0xa9: {  	s0 =	sadd.s32 @!p0 $0x100000, s0  }
0xaa: {  	[sflag:s0] =	ssyncadd.tile.s32 @!p0 $0x1;
	_ =	shalt  }
.Lfunc_end2:
_tile_overlayer_lowered:
.L_overlay_start_2:
0xab: {  	(tag) =	ssettag $0x2  }
0xac: {  	s0 =	rddreg [dreg:$0x0];
	s2 =	stileid.u32  }
0xad: {  	s1 =	rddreg [dreg:$0x1];
	p0 =	sne.s32 s2, $0x0  }
0xae: {  	s3 =	rddreg [dreg:$0x2];
	[bflag:$0x3] =	sbarrier.arrive $0xFFFF;
	s2 =	simm.s32 @!p0 $0x1C03  }
0xaf: {  	[timem:s3], [sflag:s2] =	dma.local @!p0 [hbm:s0], s1  }
0xb0: {  	s0 =	simm.s32 @!p0 $0x3  }
0xb1: {  	_ =	swait.ge @!p0 [sflag:s0], s1  }
0xb2: {  	s1 =	ssub.s32 @!p0 $0x0, s1;
	[sflag:s0] =	ssyncset.done @!p0 $0x0  }
0xb3: {  	[sflag:s0] =	ssyncadd.s32 @!p0 s1  }
0xb4: {  	[bflag:$0x3] =	sbarrier.arrive $0xFFFF  }
0xb5: {  	_ =	shalt  }

</sc_bundles>
